<compile_context>
chip_gen: v7x
topology: tpu7x:2x2x1
jax: 0.10.2.dev20260603
libtpu: 0.0.44.dev20260713+nightly
codegen_flags: <defaults>
</compile_context>

<pallas_src>
import functools

import jax
import jax.numpy as jnp
from jax import lax
from jax.experimental import pallas as pl
from jax.experimental.pallas import tpu as pltpu
from jax.experimental.pallas import tpu_sc as plsc

_NBATCH = 16384
_L = 50
_D = 64
_NC = 2
_NS = 16
_NW = _NC * _NS
_BB = 512
_NBG = _NBATCH // _BB
_NBLK = _L * _NBG
_BLKW = _NBLK // _NW
_NBUF = 2

_mesh = plsc.VectorSubcoreMesh(core_axis_name="c", subcore_axis_name="s")


@functools.partial(
    pl.kernel,
    mesh=_mesh,
    out_type=jax.ShapeDtypeStruct((_L, _NBG, _BB, _D), jnp.float32),
    scratch_types=(
        [pltpu.VMEM((1, _BB), jnp.int32) for _ in range(_NBUF)]
        + [pltpu.VMEM((1, 1, _BB, _D), jnp.float32) for _ in range(_NBUF)]
        + [pltpu.SemaphoreType.DMA for _ in range(2 * _NBUF)]
    ),
    compiler_params=pltpu.CompilerParams(use_tc_tiling_on_sc=False),
)
def _embed_sc(idx_hbm, table_hbm, out_hbm, *scratch):
    idxb = scratch[0:_NBUF]
    rows = scratch[_NBUF:2 * _NBUF]
    gsem = scratch[2 * _NBUF:3 * _NBUF]
    ssem = scratch[3 * _NBUF:4 * _NBUF]

    wid = lax.axis_index("s") * _NC + lax.axis_index("c")
    base = wid * _BLKW

    def coords(i):
        bid = base + i
        return bid // _NBG, bid % _NBG

    def load_gather(i, b):
        l, bg = coords(i)
        pltpu.sync_copy(idx_hbm.at[pl.ds(l, 1), pl.ds(bg * _BB, _BB)],
                        idxb[b])
        pltpu.async_copy(table_hbm.at[idxb[b].at[0]], rows[b].at[0, 0],
                         gsem[b])

    def wait_gather(b):
        pltpu.make_async_copy(table_hbm.at[idxb[b].at[0]], rows[b].at[0, 0],
                              gsem[b]).wait()

    def start_store(i, b):
        l, bg = coords(i)
        pltpu.async_copy(rows[b], out_hbm.at[pl.ds(l, 1), pl.ds(bg, 1)],
                         ssem[b])

    def wait_store(i, b):
        l, bg = coords(i)
        pltpu.make_async_copy(rows[b], out_hbm.at[pl.ds(l, 1), pl.ds(bg, 1)],
                              ssem[b]).wait()

    for b in range(_NBUF):
        load_gather(b, b)

    def body(g, carry):
        i0 = g * _NBUF
        for b in range(_NBUF):
            wait_gather(b)
            start_store(i0 + b, b)
        for b in range(_NBUF):
            i = i0 + b
            wait_store(i, b)

            @pl.when(i + _NBUF < _BLKW)
            def _():
                load_gather(i + _NBUF, b)

        return carry

    lax.fori_loop(0, _BLKW // _NBUF, body, 0)


def kernel(x, weight):
    if x.dtype != jnp.int32:
        x = x.astype(jnp.int32)
    xt = jnp.transpose(x, (1, 0))
    out4 = _embed_sc(xt, weight)
    return jnp.transpose(out4.reshape(_L, _NBATCH, _D), (1, 0, 2))

# --- scband reference (transcript-rebuilt; emitter-appended) ---
"""Pipeline reference for scband-qwen3-embedding-64742337020177 (READ-ONLY COPY).

The authoritative reference and input builder live on the scoring server;
editing this copy changes nothing except your own understanding.
"""

import jax, jax.numpy as jnp
import numpy as np

NUM_EMBEDDINGS = 1000000
EMBEDDING_DIM = 64

def setup_inputs(seed: int = 0) -> dict:
    key = jax.random.key(seed)
    k_idx, k_w = jax.random.split(key)
    x = jax.random.randint(k_idx, (16384, 50), 0, NUM_EMBEDDINGS, dtype=jnp.int64 if jax.config.jax_enable_x64 else jnp.int32)
    weight = jax.random.normal(k_w, (NUM_EMBEDDINGS, EMBEDDING_DIM), dtype=jnp.float32) * 0.02
    return {"x": x, "weight": weight}

def reference(x, weight):
    # Faithful embedding lookup: out[b, l, :] = weight[x[b, l], :]
    return jnp.take(weight, x, axis=0)

if __name__ == "__main__":
    import jax
    _d = setup_inputs()
    print(jax.jit(kernel)(*tuple(_d.values())))

</pallas_src>

<mosaic_0001>
#map = affine_map<(d0, d1) -> (0, 0)>
#map1 = affine_map<(d0, d1) -> (0, 0, 0, 0)>
module attributes {stable_mosaic.version = 14 : i64} {
  func.func @_embed_sc(%arg0: i32, %arg1: i32, %arg2: memref<50x16384xi32, #tpu.memory_space<hbm>>, %arg3: memref<1000000x64xf32, #tpu.memory_space<hbm>>, %arg4: memref<50x32x512x64xf32, #tpu.memory_space<hbm>>, %arg5: memref<1x512xi32, #tpu.memory_space<vmem>>, %arg6: memref<1x512xi32, #tpu.memory_space<vmem>>, %arg7: memref<1x1x512x64xf32, #tpu.memory_space<vmem>>, %arg8: memref<1x1x512x64xf32, #tpu.memory_space<vmem>>, %arg9: memref<!tpu.dma_semaphore, #tpu.memory_space<semaphore_mem>>, %arg10: memref<!tpu.dma_semaphore, #tpu.memory_space<semaphore_mem>>, %arg11: memref<!tpu.dma_semaphore, #tpu.memory_space<semaphore_mem>>, %arg12: memref<!tpu.dma_semaphore, #tpu.memory_space<semaphore_mem>>) attributes {dimension_semantics = [#tpu.dimension_semantics<core_parallel>, #tpu.dimension_semantics<subcore_parallel>], iteration_bounds = array<i64: 2, 16>, scalar_prefetch = 0 : i64, scratch_operands = 8 : i64, tpu.core_type = #tpu.core_type<sc_vector_subcore>, window_params = [{transform_indices = #map}, {transform_indices = #map}, {transform_indices = #map1}]} {
    %mul3A = arith.constant 2 : i32
    %mul3A_0 = arith.muli %arg1, %mul3A : i32
    %add3A = arith.addi %mul3A_0, %arg0 : i32
    %mul3A_1 = arith.constant 50 : i32
    %mul3A_2 = arith.muli %add3A, %mul3A_1 : i32
    %add3A_3 = arith.constant 0 : i32
    %add3A_4 = arith.addi %mul3A_2, %add3A_3 : i32
    %jit3A = arith.constant 32 : i32
    %div3A = arith.divsi %add3A_4, %jit3A : i32
    %sign3A = arith.constant 0 : i32
    %sign3A_5 = arith.cmpi sgt, %add3A_4, %sign3A : i32
    %sign3A_6 = arith.extui %sign3A_5 : i1 to i32
    %sign3A_7 = arith.constant 0 : i32
    %sign3A_8 = arith.cmpi slt, %add3A_4, %sign3A_7 : i32
    %sign3A_9 = arith.extui %sign3A_8 : i1 to i32
    %sign3A_10 = arith.subi %sign3A_6, %sign3A_9 : i32
    %sign3A_11 = arith.constant 0 : i32
    %sign3A_12 = arith.cmpi sgt, %jit3A, %sign3A_11 : i32
    %sign3A_13 = arith.extui %sign3A_12 : i1 to i32
    %sign3A_14 = arith.constant 0 : i32
    %sign3A_15 = arith.cmpi slt, %jit3A, %sign3A_14 : i32
    %sign3A_16 = arith.extui %sign3A_15 : i1 to i32
    %sign3A_17 = arith.subi %sign3A_13, %sign3A_16 : i32
    %ne3A = arith.cmpi ne, %sign3A_10, %sign3A_17 : i32
    %rem3A = arith.remsi %add3A_4, %jit3A : i32
    %ne3A_18 = arith.constant 0 : i32
    %ne3A_19 = arith.cmpi ne, %rem3A, %ne3A_18 : i32
    %and3A = arith.andi %ne3A, %ne3A_19 : i1
    %sub3A = arith.constant 1 : i32
    %sub3A_20 = arith.subi %div3A, %sub3A : i32
    %select_n3A = arith.select %and3A, %sub3A_20, %div3A : i32
    %jit3A_21 = arith.constant 32 : i32
    %eq3A = arith.constant 0 : i32
    %eq3A_22 = arith.cmpi eq, %jit3A_21, %eq3A : i32
    %jit3A_23 = arith.constant 1 : i32
    %select_n3A_24 = arith.select %eq3A_22, %jit3A_23, %jit3A_21 : i32
    %rem3A_25 = arith.remsi %add3A_4, %select_n3A_24 : i32
    %ne3A_26 = arith.constant 0 : i32
    %ne3A_27 = arith.cmpi ne, %rem3A_25, %ne3A_26 : i32
    %lt3A = arith.constant 0 : i32
    %lt3A_28 = arith.cmpi slt, %rem3A_25, %lt3A : i32
    %lt3A_29 = arith.constant 0 : i32
    %lt3A_30 = arith.cmpi slt, %select_n3A_24, %lt3A_29 : i32
    %ne3A_31 = arith.xori %lt3A_28, %lt3A_30 : i1
    %and3A_32 = arith.andi %ne3A_31, %ne3A_27 : i1
    %add3A_33 = arith.addi %rem3A_25, %select_n3A_24 : i32
    %select_n3A_34 = arith.select %and3A_32, %add3A_33, %rem3A_25 : i32
    %mul3A_35 = arith.constant 512 : i32
    %mul3A_36 = arith.muli %select_n3A_34, %mul3A_35 : i32
    "tpu.region"() ({
      %run_scoped3A = tpu.sem_alloc : memref<!tpu.dma_semaphore, #tpu.memory_space<semaphore_mem>>
      %dma_start3A_111 = tpu.memref_slice %arg2[%select_n3A, %mul3A_36] : memref<50x16384xi32, #tpu.memory_space<hbm>> -> memref<1x512xi32, #tpu.memory_space<hbm>>
      %dma_start3A_112 = tpu.memref_slice %arg2[%select_n3A, %mul3A_36] : memref<50x16384xi32, #tpu.memory_space<hbm>> -> memref<1x512xi32, #tpu.memory_space<hbm>>
      tpu.enqueue_dma source(%dma_start3A_112 : memref<1x512xi32, #tpu.memory_space<hbm>>) target(%arg5 : memref<1x512xi32, #tpu.memory_space<vmem>>) target_semaphore(%run_scoped3A : memref<!tpu.dma_semaphore, #tpu.memory_space<semaphore_mem>>)
      %dma_wait3A = tpu.memref_slice %arg2[%select_n3A, %mul3A_36] : memref<50x16384xi32, #tpu.memory_space<hbm>> -> memref<1x512xi32, #tpu.memory_space<hbm>>
      %dma_wait3A_113 = tpu.memref_slice %arg2[%select_n3A, %mul3A_36] : memref<50x16384xi32, #tpu.memory_space<hbm>> -> memref<1x512xi32, #tpu.memory_space<hbm>>
      tpu.wait_dma2 semaphore(%run_scoped3A : memref<!tpu.dma_semaphore, #tpu.memory_space<semaphore_mem>>) src(%dma_wait3A_113 : memref<1x512xi32, #tpu.memory_space<hbm>>) dst(%arg5 : memref<1x512xi32, #tpu.memory_space<vmem>>)
      tpu.yield
    }) : () -> ()
    %dma_start3A = arith.constant 0 : i32
    %dma_start3A_37 = arith.constant 0 : i32
    %dma_start3A_38 = arith.constant 0 : i32
    %dma_start3A_39 = arith.constant 0 : i32
    %dma_start3A_40 = arith.constant 0 : i32
    %dma_start3A_41 = tpu.memref_slice %arg7[%dma_start3A_37, %dma_start3A_38, %dma_start3A_39, %dma_start3A_40] : memref<1x1x512x64xf32, #tpu.memory_space<vmem>> -> memref<1x1x512x64xf32, #tpu.memory_space<vmem>>
    %dma_start3A_42 = tpu.memref_squeeze %dma_start3A_41 : memref<1x1x512x64xf32, #tpu.memory_space<vmem>> -> memref<512x64xf32, #tpu.memory_space<vmem>>
    %dma_start3A_43 = arith.constant 0 : i32
    %dma_start3A_44 = tpu.memref_slice %arg5[%dma_start3A, %dma_start3A_43] : memref<1x512xi32, #tpu.memory_space<vmem>> -> memref<1x512xi32, #tpu.memory_space<vmem>>
    %dma_start3A_45 = tpu.memref_squeeze %dma_start3A_44 : memref<1x512xi32, #tpu.memory_space<vmem>> -> memref<512xi32, #tpu.memory_space<vmem>>
    %dma_start3A_46 = arith.constant 0 : i32
    %dma_start3A_47 = arith.constant 0 : i32
    %dma_start3A_48 = tpu.memref_slice %arg3[%dma_start3A_46, %dma_start3A_47] : memref<1000000x64xf32, #tpu.memory_space<hbm>> -> memref<1000000x64xf32, #tpu.memory_space<hbm>>
    tpu.enqueue_indirect_dma source(%dma_start3A_48 : memref<1000000x64xf32, #tpu.memory_space<hbm>>) target(%dma_start3A_42 : memref<512x64xf32, #tpu.memory_space<vmem>>) offsets(%dma_start3A_45 : memref<512xi32, #tpu.memory_space<vmem>>) semaphore(%arg9 : memref<!tpu.dma_semaphore, #tpu.memory_space<semaphore_mem>>)
    %add3A_49 = arith.constant 1 : i32
    %add3A_50 = arith.addi %mul3A_2, %add3A_49 : i32
    %jit3A_51 = arith.constant 32 : i32
    %div3A_52 = arith.divsi %add3A_50, %jit3A_51 : i32
    %sign3A_53 = arith.constant 0 : i32
    %sign3A_54 = arith.cmpi sgt, %add3A_50, %sign3A_53 : i32
    %sign3A_55 = arith.extui %sign3A_54 : i1 to i32
    %sign3A_56 = arith.constant 0 : i32
    %sign3A_57 = arith.cmpi slt, %add3A_50, %sign3A_56 : i32
    %sign3A_58 = arith.extui %sign3A_57 : i1 to i32
    %sign3A_59 = arith.subi %sign3A_55, %sign3A_58 : i32
    %sign3A_60 = arith.constant 0 : i32
    %sign3A_61 = arith.cmpi sgt, %jit3A_51, %sign3A_60 : i32
    %sign3A_62 = arith.extui %sign3A_61 : i1 to i32
    %sign3A_63 = arith.constant 0 : i32
    %sign3A_64 = arith.cmpi slt, %jit3A_51, %sign3A_63 : i32
    %sign3A_65 = arith.extui %sign3A_64 : i1 to i32
    %sign3A_66 = arith.subi %sign3A_62, %sign3A_65 : i32
    %ne3A_67 = arith.cmpi ne, %sign3A_59, %sign3A_66 : i32
    %rem3A_68 = arith.remsi %add3A_50, %jit3A_51 : i32
    %ne3A_69 = arith.constant 0 : i32
    %ne3A_70 = arith.cmpi ne, %rem3A_68, %ne3A_69 : i32
    %and3A_71 = arith.andi %ne3A_67, %ne3A_70 : i1
    %sub3A_72 = arith.constant 1 : i32
    %sub3A_73 = arith.subi %div3A_52, %sub3A_72 : i32
    %select_n3A_74 = arith.select %and3A_71, %sub3A_73, %div3A_52 : i32
    %jit3A_75 = arith.constant 32 : i32
    %eq3A_76 = arith.constant 0 : i32
    %eq3A_77 = arith.cmpi eq, %jit3A_75, %eq3A_76 : i32
    %jit3A_78 = arith.constant 1 : i32
    %select_n3A_79 = arith.select %eq3A_77, %jit3A_78, %jit3A_75 : i32
    %rem3A_80 = arith.remsi %add3A_50, %select_n3A_79 : i32
    %ne3A_81 = arith.constant 0 : i32
    %ne3A_82 = arith.cmpi ne, %rem3A_80, %ne3A_81 : i32
    %lt3A_83 = arith.constant 0 : i32
    %lt3A_84 = arith.cmpi slt, %rem3A_80, %lt3A_83 : i32
    %lt3A_85 = arith.constant 0 : i32
    %lt3A_86 = arith.cmpi slt, %select_n3A_79, %lt3A_85 : i32
    %ne3A_87 = arith.xori %lt3A_84, %lt3A_86 : i1
    %and3A_88 = arith.andi %ne3A_87, %ne3A_82 : i1
    %add3A_89 = arith.addi %rem3A_80, %select_n3A_79 : i32
    %select_n3A_90 = arith.select %and3A_88, %add3A_89, %rem3A_80 : i32
    %mul3A_91 = arith.constant 512 : i32
    %mul3A_92 = arith.muli %select_n3A_90, %mul3A_91 : i32
    "tpu.region"() ({
      %run_scoped3A = tpu.sem_alloc : memref<!tpu.dma_semaphore, #tpu.memory_space<semaphore_mem>>
      %dma_start3A_111 = tpu.memref_slice %arg2[%select_n3A_74, %mul3A_92] : memref<50x16384xi32, #tpu.memory_space<hbm>> -> memref<1x512xi32, #tpu.memory_space<hbm>>
      %dma_start3A_112 = tpu.memref_slice %arg2[%select_n3A_74, %mul3A_92] : memref<50x16384xi32, #tpu.memory_space<hbm>> -> memref<1x512xi32, #tpu.memory_space<hbm>>
      tpu.enqueue_dma source(%dma_start3A_112 : memref<1x512xi32, #tpu.memory_space<hbm>>) target(%arg6 : memref<1x512xi32, #tpu.memory_space<vmem>>) target_semaphore(%run_scoped3A : memref<!tpu.dma_semaphore, #tpu.memory_space<semaphore_mem>>)
      %dma_wait3A = tpu.memref_slice %arg2[%select_n3A_74, %mul3A_92] : memref<50x16384xi32, #tpu.memory_space<hbm>> -> memref<1x512xi32, #tpu.memory_space<hbm>>
      %dma_wait3A_113 = tpu.memref_slice %arg2[%select_n3A_74, %mul3A_92] : memref<50x16384xi32, #tpu.memory_space<hbm>> -> memref<1x512xi32, #tpu.memory_space<hbm>>
      tpu.wait_dma2 semaphore(%run_scoped3A : memref<!tpu.dma_semaphore, #tpu.memory_space<semaphore_mem>>) src(%dma_wait3A_113 : memref<1x512xi32, #tpu.memory_space<hbm>>) dst(%arg6 : memref<1x512xi32, #tpu.memory_space<vmem>>)
      tpu.yield
    }) : () -> ()
    %dma_start3A_93 = arith.constant 0 : i32
    %dma_start3A_94 = arith.constant 0 : i32
    %dma_start3A_95 = arith.constant 0 : i32
    %dma_start3A_96 = arith.constant 0 : i32
    %dma_start3A_97 = arith.constant 0 : i32
    %dma_start3A_98 = tpu.memref_slice %arg8[%dma_start3A_94, %dma_start3A_95, %dma_start3A_96, %dma_start3A_97] : memref<1x1x512x64xf32, #tpu.memory_space<vmem>> -> memref<1x1x512x64xf32, #tpu.memory_space<vmem>>
    %dma_start3A_99 = tpu.memref_squeeze %dma_start3A_98 : memref<1x1x512x64xf32, #tpu.memory_space<vmem>> -> memref<512x64xf32, #tpu.memory_space<vmem>>
    %dma_start3A_100 = arith.constant 0 : i32
    %dma_start3A_101 = tpu.memref_slice %arg6[%dma_start3A_93, %dma_start3A_100] : memref<1x512xi32, #tpu.memory_space<vmem>> -> memref<1x512xi32, #tpu.memory_space<vmem>>
    %dma_start3A_102 = tpu.memref_squeeze %dma_start3A_101 : memref<1x512xi32, #tpu.memory_space<vmem>> -> memref<512xi32, #tpu.memory_space<vmem>>
    %dma_start3A_103 = arith.constant 0 : i32
    %dma_start3A_104 = arith.constant 0 : i32
    %dma_start3A_105 = tpu.memref_slice %arg3[%dma_start3A_103, %dma_start3A_104] : memref<1000000x64xf32, #tpu.memory_space<hbm>> -> memref<1000000x64xf32, #tpu.memory_space<hbm>>
    tpu.enqueue_indirect_dma source(%dma_start3A_105 : memref<1000000x64xf32, #tpu.memory_space<hbm>>) target(%dma_start3A_99 : memref<512x64xf32, #tpu.memory_space<vmem>>) offsets(%dma_start3A_102 : memref<512xi32, #tpu.memory_space<vmem>>) semaphore(%arg10 : memref<!tpu.dma_semaphore, #tpu.memory_space<semaphore_mem>>)
    %scan3A = arith.constant 0 : i32
    %scan3A_106 = arith.constant 0 : i32
    %scan3A_107 = arith.constant 25 : i32
    %scan3A_108 = arith.addi %scan3A_106, %scan3A_107 : i32
    %scan3A_109 = arith.constant 1 : i32
    scf.for %scan3A_111 = %scan3A_106 to %scan3A_108 step %scan3A_109  : i32 {
      %mul3A_112 = arith.constant 2 : i32
      %mul3A_113 = arith.muli %scan3A_111, %mul3A_112 : i32
      %dma_wait3A = arith.constant 0 : i32
      %dma_wait3A_114 = arith.constant 0 : i32
      %dma_wait3A_115 = arith.constant 0 : i32
      %dma_wait3A_116 = arith.constant 0 : i32
      %dma_wait3A_117 = arith.constant 0 : i32
      %dma_wait3A_118 = tpu.memref_slice %arg7[%dma_wait3A_114, %dma_wait3A_115, %dma_wait3A_116, %dma_wait3A_117] : memref<1x1x512x64xf32, #tpu.memory_space<vmem>> -> memref<1x1x512x64xf32, #tpu.memory_space<vmem>>
      %dma_wait3A_119 = tpu.memref_squeeze %dma_wait3A_118 : memref<1x1x512x64xf32, #tpu.memory_space<vmem>> -> memref<512x64xf32, #tpu.memory_space<vmem>>
      %dma_wait3A_120 = arith.constant 0 : i32
      %dma_wait3A_121 = tpu.memref_slice %arg5[%dma_wait3A, %dma_wait3A_120] : memref<1x512xi32, #tpu.memory_space<vmem>> -> memref<1x512xi32, #tpu.memory_space<vmem>>
      %dma_wait3A_122 = tpu.memref_squeeze %dma_wait3A_121 : memref<1x512xi32, #tpu.memory_space<vmem>> -> memref<512xi32, #tpu.memory_space<vmem>>
      %dma_wait3A_123 = arith.constant 0 : i32
      %dma_wait3A_124 = arith.constant 0 : i32
      %dma_wait3A_125 = tpu.memref_slice %arg3[%dma_wait3A_123, %dma_wait3A_124] : memref<1000000x64xf32, #tpu.memory_space<hbm>> -> memref<1000000x64xf32, #tpu.memory_space<hbm>>
      tpu.wait_indirect_dma semaphore(%arg9 : memref<!tpu.dma_semaphore, #tpu.memory_space<semaphore_mem>>) src(%dma_wait3A_125 : memref<1000000x64xf32, #tpu.memory_space<hbm>>) dst(%dma_wait3A_119 : memref<512x64xf32, #tpu.memory_space<vmem>>)
      %add3A_126 = arith.constant 0 : i32
      %add3A_127 = arith.addi %mul3A_113, %add3A_126 : i32
      %add3A_128 = arith.addi %mul3A_2, %add3A_127 : i32
      %jit3A_129 = arith.constant 32 : i32
      %div3A_130 = arith.divsi %add3A_128, %jit3A_129 : i32
      %sign3A_131 = arith.constant 0 : i32
      %sign3A_132 = arith.cmpi sgt, %add3A_128, %sign3A_131 : i32
      %sign3A_133 = arith.extui %sign3A_132 : i1 to i32
      %sign3A_134 = arith.constant 0 : i32
      %sign3A_135 = arith.cmpi slt, %add3A_128, %sign3A_134 : i32
      %sign3A_136 = arith.extui %sign3A_135 : i1 to i32
      %sign3A_137 = arith.subi %sign3A_133, %sign3A_136 : i32
      %sign3A_138 = arith.constant 0 : i32
      %sign3A_139 = arith.cmpi sgt, %jit3A_129, %sign3A_138 : i32
      %sign3A_140 = arith.extui %sign3A_139 : i1 to i32
      %sign3A_141 = arith.constant 0 : i32
      %sign3A_142 = arith.cmpi slt, %jit3A_129, %sign3A_141 : i32
      %sign3A_143 = arith.extui %sign3A_142 : i1 to i32
      %sign3A_144 = arith.subi %sign3A_140, %sign3A_143 : i32
      %ne3A_145 = arith.cmpi ne, %sign3A_137, %sign3A_144 : i32
      %rem3A_146 = arith.remsi %add3A_128, %jit3A_129 : i32
      %ne3A_147 = arith.constant 0 : i32
      %ne3A_148 = arith.cmpi ne, %rem3A_146, %ne3A_147 : i32
      %and3A_149 = arith.andi %ne3A_145, %ne3A_148 : i1
      %sub3A_150 = arith.constant 1 : i32
      %sub3A_151 = arith.subi %div3A_130, %sub3A_150 : i32
      %select_n3A_152 = arith.select %and3A_149, %sub3A_151, %div3A_130 : i32
      %jit3A_153 = arith.constant 32 : i32
      %eq3A_154 = arith.constant 0 : i32
      %eq3A_155 = arith.cmpi eq, %jit3A_153, %eq3A_154 : i32
      %jit3A_156 = arith.constant 1 : i32
      %select_n3A_157 = arith.select %eq3A_155, %jit3A_156, %jit3A_153 : i32
      %rem3A_158 = arith.remsi %add3A_128, %select_n3A_157 : i32
      %ne3A_159 = arith.constant 0 : i32
      %ne3A_160 = arith.cmpi ne, %rem3A_158, %ne3A_159 : i32
      %lt3A_161 = arith.constant 0 : i32
      %lt3A_162 = arith.cmpi slt, %rem3A_158, %lt3A_161 : i32
      %lt3A_163 = arith.constant 0 : i32
      %lt3A_164 = arith.cmpi slt, %select_n3A_157, %lt3A_163 : i32
      %ne3A_165 = arith.xori %lt3A_162, %lt3A_164 : i1
      %and3A_166 = arith.andi %ne3A_165, %ne3A_160 : i1
      %add3A_167 = arith.addi %rem3A_158, %select_n3A_157 : i32
      %select_n3A_168 = arith.select %and3A_166, %add3A_167, %rem3A_158 : i32
      %dma_start3A_169 = arith.constant 0 : i32
      %dma_start3A_170 = arith.constant 0 : i32
      %dma_start3A_171 = tpu.memref_slice %arg4[%select_n3A_152, %select_n3A_168, %dma_start3A_169, %dma_start3A_170] : memref<50x32x512x64xf32, #tpu.memory_space<hbm>> -> memref<1x1x512x64xf32, #tpu.memory_space<hbm>>
      %dma_start3A_172 = arith.constant 0 : i32
      %dma_start3A_173 = arith.constant 0 : i32
      %dma_start3A_174 = tpu.memref_slice %arg4[%select_n3A_152, %select_n3A_168, %dma_start3A_172, %dma_start3A_173] : memref<50x32x512x64xf32, #tpu.memory_space<hbm>> -> memref<1x1x512x64xf32, #tpu.memory_space<hbm>>
      tpu.enqueue_dma source(%arg7 : memref<1x1x512x64xf32, #tpu.memory_space<vmem>>) target(%dma_start3A_174 : memref<1x1x512x64xf32, #tpu.memory_space<hbm>>) target_semaphore(%arg11 : memref<!tpu.dma_semaphore, #tpu.memory_space<semaphore_mem>>)
      %dma_wait3A_175 = arith.constant 0 : i32
      %dma_wait3A_176 = arith.constant 0 : i32
      %dma_wait3A_177 = arith.constant 0 : i32
      %dma_wait3A_178 = arith.constant 0 : i32
      %dma_wait3A_179 = arith.constant 0 : i32
      %dma_wait3A_180 = tpu.memref_slice %arg8[%dma_wait3A_176, %dma_wait3A_177, %dma_wait3A_178, %dma_wait3A_179] : memref<1x1x512x64xf32, #tpu.memory_space<vmem>> -> memref<1x1x512x64xf32, #tpu.memory_space<vmem>>
      %dma_wait3A_181 = tpu.memref_squeeze %dma_wait3A_180 : memref<1x1x512x64xf32, #tpu.memory_space<vmem>> -> memref<512x64xf32, #tpu.memory_space<vmem>>
      %dma_wait3A_182 = arith.constant 0 : i32
      %dma_wait3A_183 = tpu.memref_slice %arg6[%dma_wait3A_175, %dma_wait3A_182] : memref<1x512xi32, #tpu.memory_space<vmem>> -> memref<1x512xi32, #tpu.memory_space<vmem>>
      %dma_wait3A_184 = tpu.memref_squeeze %dma_wait3A_183 : memref<1x512xi32, #tpu.memory_space<vmem>> -> memref<512xi32, #tpu.memory_space<vmem>>
      %dma_wait3A_185 = arith.constant 0 : i32
      %dma_wait3A_186 = arith.constant 0 : i32
      %dma_wait3A_187 = tpu.memref_slice %arg3[%dma_wait3A_185, %dma_wait3A_186] : memref<1000000x64xf32, #tpu.memory_space<hbm>> -> memref<1000000x64xf32, #tpu.memory_space<hbm>>
      tpu.wait_indirect_dma semaphore(%arg10 : memref<!tpu.dma_semaphore, #tpu.memory_space<semaphore_mem>>) src(%dma_wait3A_187 : memref<1000000x64xf32, #tpu.memory_space<hbm>>) dst(%dma_wait3A_181 : memref<512x64xf32, #tpu.memory_space<vmem>>)
      %add3A_188 = arith.constant 1 : i32
      %add3A_189 = arith.addi %mul3A_113, %add3A_188 : i32
      %add3A_190 = arith.addi %mul3A_2, %add3A_189 : i32
      %jit3A_191 = arith.constant 32 : i32
      %div3A_192 = arith.divsi %add3A_190, %jit3A_191 : i32
      %sign3A_193 = arith.constant 0 : i32
      %sign3A_194 = arith.cmpi sgt, %add3A_190, %sign3A_193 : i32
      %sign3A_195 = arith.extui %sign3A_194 : i1 to i32
      %sign3A_196 = arith.constant 0 : i32
      %sign3A_197 = arith.cmpi slt, %add3A_190, %sign3A_196 : i32
      %sign3A_198 = arith.extui %sign3A_197 : i1 to i32
      %sign3A_199 = arith.subi %sign3A_195, %sign3A_198 : i32
      %sign3A_200 = arith.constant 0 : i32
      %sign3A_201 = arith.cmpi sgt, %jit3A_191, %sign3A_200 : i32
      %sign3A_202 = arith.extui %sign3A_201 : i1 to i32
      %sign3A_203 = arith.constant 0 : i32
      %sign3A_204 = arith.cmpi slt, %jit3A_191, %sign3A_203 : i32
      %sign3A_205 = arith.extui %sign3A_204 : i1 to i32
      %sign3A_206 = arith.subi %sign3A_202, %sign3A_205 : i32
      %ne3A_207 = arith.cmpi ne, %sign3A_199, %sign3A_206 : i32
      %rem3A_208 = arith.remsi %add3A_190, %jit3A_191 : i32
      %ne3A_209 = arith.constant 0 : i32
      %ne3A_210 = arith.cmpi ne, %rem3A_208, %ne3A_209 : i32
      %and3A_211 = arith.andi %ne3A_207, %ne3A_210 : i1
      %sub3A_212 = arith.constant 1 : i32
      %sub3A_213 = arith.subi %div3A_192, %sub3A_212 : i32
      %select_n3A_214 = arith.select %and3A_211, %sub3A_213, %div3A_192 : i32
      %jit3A_215 = arith.constant 32 : i32
      %eq3A_216 = arith.constant 0 : i32
      %eq3A_217 = arith.cmpi eq, %jit3A_215, %eq3A_216 : i32
      %jit3A_218 = arith.constant 1 : i32
      %select_n3A_219 = arith.select %eq3A_217, %jit3A_218, %jit3A_215 : i32
      %rem3A_220 = arith.remsi %add3A_190, %select_n3A_219 : i32
      %ne3A_221 = arith.constant 0 : i32
      %ne3A_222 = arith.cmpi ne, %rem3A_220, %ne3A_221 : i32
      %lt3A_223 = arith.constant 0 : i32
      %lt3A_224 = arith.cmpi slt, %rem3A_220, %lt3A_223 : i32
      %lt3A_225 = arith.constant 0 : i32
      %lt3A_226 = arith.cmpi slt, %select_n3A_219, %lt3A_225 : i32
      %ne3A_227 = arith.xori %lt3A_224, %lt3A_226 : i1
      %and3A_228 = arith.andi %ne3A_227, %ne3A_222 : i1
      %add3A_229 = arith.addi %rem3A_220, %select_n3A_219 : i32
      %select_n3A_230 = arith.select %and3A_228, %add3A_229, %rem3A_220 : i32
      %dma_start3A_231 = arith.constant 0 : i32
      %dma_start3A_232 = arith.constant 0 : i32
      %dma_start3A_233 = tpu.memref_slice %arg4[%select_n3A_214, %select_n3A_230, %dma_start3A_231, %dma_start3A_232] : memref<50x32x512x64xf32, #tpu.memory_space<hbm>> -> memref<1x1x512x64xf32, #tpu.memory_space<hbm>>
      %dma_start3A_234 = arith.constant 0 : i32
      %dma_start3A_235 = arith.constant 0 : i32
      %dma_start3A_236 = tpu.memref_slice %arg4[%select_n3A_214, %select_n3A_230, %dma_start3A_234, %dma_start3A_235] : memref<50x32x512x64xf32, #tpu.memory_space<hbm>> -> memref<1x1x512x64xf32, #tpu.memory_space<hbm>>
      tpu.enqueue_dma source(%arg8 : memref<1x1x512x64xf32, #tpu.memory_space<vmem>>) target(%dma_start3A_236 : memref<1x1x512x64xf32, #tpu.memory_space<hbm>>) target_semaphore(%arg12 : memref<!tpu.dma_semaphore, #tpu.memory_space<semaphore_mem>>)
      %add3A_237 = arith.constant 0 : i32
      %add3A_238 = arith.addi %mul3A_113, %add3A_237 : i32
      %add3A_239 = arith.addi %mul3A_2, %add3A_238 : i32
      %jit3A_240 = arith.constant 32 : i32
      %div3A_241 = arith.divsi %add3A_239, %jit3A_240 : i32
      %sign3A_242 = arith.constant 0 : i32
      %sign3A_243 = arith.cmpi sgt, %add3A_239, %sign3A_242 : i32
      %sign3A_244 = arith.extui %sign3A_243 : i1 to i32
      %sign3A_245 = arith.constant 0 : i32
      %sign3A_246 = arith.cmpi slt, %add3A_239, %sign3A_245 : i32
      %sign3A_247 = arith.extui %sign3A_246 : i1 to i32
      %sign3A_248 = arith.subi %sign3A_244, %sign3A_247 : i32
      %sign3A_249 = arith.constant 0 : i32
      %sign3A_250 = arith.cmpi sgt, %jit3A_240, %sign3A_249 : i32
      %sign3A_251 = arith.extui %sign3A_250 : i1 to i32
      %sign3A_252 = arith.constant 0 : i32
      %sign3A_253 = arith.cmpi slt, %jit3A_240, %sign3A_252 : i32
      %sign3A_254 = arith.extui %sign3A_253 : i1 to i32
      %sign3A_255 = arith.subi %sign3A_251, %sign3A_254 : i32
      %ne3A_256 = arith.cmpi ne, %sign3A_248, %sign3A_255 : i32
      %rem3A_257 = arith.remsi %add3A_239, %jit3A_240 : i32
      %ne3A_258 = arith.constant 0 : i32
      %ne3A_259 = arith.cmpi ne, %rem3A_257, %ne3A_258 : i32
      %and3A_260 = arith.andi %ne3A_256, %ne3A_259 : i1
      %sub3A_261 = arith.constant 1 : i32
      %sub3A_262 = arith.subi %div3A_241, %sub3A_261 : i32
      %select_n3A_263 = arith.select %and3A_260, %sub3A_262, %div3A_241 : i32
      %jit3A_264 = arith.constant 32 : i32
      %eq3A_265 = arith.constant 0 : i32
      %eq3A_266 = arith.cmpi eq, %jit3A_264, %eq3A_265 : i32
      %jit3A_267 = arith.constant 1 : i32
      %select_n3A_268 = arith.select %eq3A_266, %jit3A_267, %jit3A_264 : i32
      %rem3A_269 = arith.remsi %add3A_239, %select_n3A_268 : i32
      %ne3A_270 = arith.constant 0 : i32
      %ne3A_271 = arith.cmpi ne, %rem3A_269, %ne3A_270 : i32
      %lt3A_272 = arith.constant 0 : i32
      %lt3A_273 = arith.cmpi slt, %rem3A_269, %lt3A_272 : i32
      %lt3A_274 = arith.constant 0 : i32
      %lt3A_275 = arith.cmpi slt, %select_n3A_268, %lt3A_274 : i32
      %ne3A_276 = arith.xori %lt3A_273, %lt3A_275 : i1
      %and3A_277 = arith.andi %ne3A_276, %ne3A_271 : i1
      %add3A_278 = arith.addi %rem3A_269, %select_n3A_268 : i32
      %select_n3A_279 = arith.select %and3A_277, %add3A_278, %rem3A_269 : i32
      %dma_wait3A_280 = arith.constant 0 : i32
      %dma_wait3A_281 = arith.constant 0 : i32
      %dma_wait3A_282 = tpu.memref_slice %arg4[%select_n3A_263, %select_n3A_279, %dma_wait3A_280, %dma_wait3A_281] : memref<50x32x512x64xf32, #tpu.memory_space<hbm>> -> memref<1x1x512x64xf32, #tpu.memory_space<hbm>>
      %dma_wait3A_283 = arith.constant 0 : i32
      %dma_wait3A_284 = arith.constant 0 : i32
      %dma_wait3A_285 = tpu.memref_slice %arg4[%select_n3A_263, %select_n3A_279, %dma_wait3A_283, %dma_wait3A_284] : memref<50x32x512x64xf32, #tpu.memory_space<hbm>> -> memref<1x1x512x64xf32, #tpu.memory_space<hbm>>
      tpu.wait_dma2 semaphore(%arg11 : memref<!tpu.dma_semaphore, #tpu.memory_space<semaphore_mem>>) src(%arg7 : memref<1x1x512x64xf32, #tpu.memory_space<vmem>>) dst(%dma_wait3A_285 : memref<1x1x512x64xf32, #tpu.memory_space<hbm>>)
      %add3A_286 = arith.constant 2 : i32
      %add3A_287 = arith.addi %add3A_238, %add3A_286 : i32
      %lt3A_288 = arith.constant 50 : i32
      %lt3A_289 = arith.cmpi slt, %add3A_287, %lt3A_288 : i32
      %convert_element_type3A = arith.extui %lt3A_289 : i1 to i32
      %cond3A = arith.constant 0 : i32
      %cond3A_290 = arith.cmpi ne, %convert_element_type3A, %cond3A : i32
      scf.if %cond3A_290 {
        %add3A_347 = arith.constant 2 : i32
        %add3A_348 = arith.addi %add3A_238, %add3A_347 : i32
        %add3A_349 = arith.addi %mul3A_2, %add3A_348 : i32
        %jit3A_350 = arith.constant 32 : i32
        %div3A_351 = arith.divsi %add3A_349, %jit3A_350 : i32
        %sign3A_352 = arith.constant 0 : i32
        %sign3A_353 = arith.cmpi sgt, %add3A_349, %sign3A_352 : i32
        %sign3A_354 = arith.extui %sign3A_353 : i1 to i32
        %sign3A_355 = arith.constant 0 : i32
        %sign3A_356 = arith.cmpi slt, %add3A_349, %sign3A_355 : i32
        %sign3A_357 = arith.extui %sign3A_356 : i1 to i32
        %sign3A_358 = arith.subi %sign3A_354, %sign3A_357 : i32
        %sign3A_359 = arith.constant 0 : i32
        %sign3A_360 = arith.cmpi sgt, %jit3A_350, %sign3A_359 : i32
        %sign3A_361 = arith.extui %sign3A_360 : i1 to i32
        %sign3A_362 = arith.constant 0 : i32
        %sign3A_363 = arith.cmpi slt, %jit3A_350, %sign3A_362 : i32
        %sign3A_364 = arith.extui %sign3A_363 : i1 to i32
        %sign3A_365 = arith.subi %sign3A_361, %sign3A_364 : i32
        %ne3A_366 = arith.cmpi ne, %sign3A_358, %sign3A_365 : i32
        %rem3A_367 = arith.remsi %add3A_349, %jit3A_350 : i32
        %ne3A_368 = arith.constant 0 : i32
        %ne3A_369 = arith.cmpi ne, %rem3A_367, %ne3A_368 : i32
        %and3A_370 = arith.andi %ne3A_366, %ne3A_369 : i1
        %sub3A_371 = arith.constant 1 : i32
        %sub3A_372 = arith.subi %div3A_351, %sub3A_371 : i32
        %select_n3A_373 = arith.select %and3A_370, %sub3A_372, %div3A_351 : i32
        %jit3A_374 = arith.constant 32 : i32
        %eq3A_375 = arith.constant 0 : i32
        %eq3A_376 = arith.cmpi eq, %jit3A_374, %eq3A_375 : i32
        %jit3A_377 = arith.constant 1 : i32
        %select_n3A_378 = arith.select %eq3A_376, %jit3A_377, %jit3A_374 : i32
        %rem3A_379 = arith.remsi %add3A_349, %select_n3A_378 : i32
        %ne3A_380 = arith.constant 0 : i32
        %ne3A_381 = arith.cmpi ne, %rem3A_379, %ne3A_380 : i32
        %lt3A_382 = arith.constant 0 : i32
        %lt3A_383 = arith.cmpi slt, %rem3A_379, %lt3A_382 : i32
        %lt3A_384 = arith.constant 0 : i32
        %lt3A_385 = arith.cmpi slt, %select_n3A_378, %lt3A_384 : i32
        %ne3A_386 = arith.xori %lt3A_383, %lt3A_385 : i1
        %and3A_387 = arith.andi %ne3A_386, %ne3A_381 : i1
        %add3A_388 = arith.addi %rem3A_379, %select_n3A_378 : i32
        %select_n3A_389 = arith.select %and3A_387, %add3A_388, %rem3A_379 : i32
        %mul3A_390 = arith.constant 512 : i32
        %mul3A_391 = arith.muli %select_n3A_389, %mul3A_390 : i32
        "tpu.region"() ({
          %run_scoped3A = tpu.sem_alloc : memref<!tpu.dma_semaphore, #tpu.memory_space<semaphore_mem>>
          %dma_start3A_405 = tpu.memref_slice %arg2[%select_n3A_373, %mul3A_391] : memref<50x16384xi32, #tpu.memory_space<hbm>> -> memref<1x512xi32, #tpu.memory_space<hbm>>
          %dma_start3A_406 = tpu.memref_slice %arg2[%select_n3A_373, %mul3A_391] : memref<50x16384xi32, #tpu.memory_space<hbm>> -> memref<1x512xi32, #tpu.memory_space<hbm>>
          tpu.enqueue_dma source(%dma_start3A_406 : memref<1x512xi32, #tpu.memory_space<hbm>>) target(%arg5 : memref<1x512xi32, #tpu.memory_space<vmem>>) target_semaphore(%run_scoped3A : memref<!tpu.dma_semaphore, #tpu.memory_space<semaphore_mem>>)
          %dma_wait3A_407 = tpu.memref_slice %arg2[%select_n3A_373, %mul3A_391] : memref<50x16384xi32, #tpu.memory_space<hbm>> -> memref<1x512xi32, #tpu.memory_space<hbm>>
          %dma_wait3A_408 = tpu.memref_slice %arg2[%select_n3A_373, %mul3A_391] : memref<50x16384xi32, #tpu.memory_space<hbm>> -> memref<1x512xi32, #tpu.memory_space<hbm>>
          tpu.wait_dma2 semaphore(%run_scoped3A : memref<!tpu.dma_semaphore, #tpu.memory_space<semaphore_mem>>) src(%dma_wait3A_408 : memref<1x512xi32, #tpu.memory_space<hbm>>) dst(%arg5 : memref<1x512xi32, #tpu.memory_space<vmem>>)
          tpu.yield
        }) : () -> ()
        %dma_start3A_392 = arith.constant 0 : i32
        %dma_start3A_393 = arith.constant 0 : i32
        %dma_start3A_394 = arith.constant 0 : i32
        %dma_start3A_395 = arith.constant 0 : i32
        %dma_start3A_396 = arith.constant 0 : i32
        %dma_start3A_397 = tpu.memref_slice %arg7[%dma_start3A_393, %dma_start3A_394, %dma_start3A_395, %dma_start3A_396] : memref<1x1x512x64xf32, #tpu.memory_space<vmem>> -> memref<1x1x512x64xf32, #tpu.memory_space<vmem>>
        %dma_start3A_398 = tpu.memref_squeeze %dma_start3A_397 : memref<1x1x512x64xf32, #tpu.memory_space<vmem>> -> memref<512x64xf32, #tpu.memory_space<vmem>>
        %dma_start3A_399 = arith.constant 0 : i32
        %dma_start3A_400 = tpu.memref_slice %arg5[%dma_start3A_392, %dma_start3A_399] : memref<1x512xi32, #tpu.memory_space<vmem>> -> memref<1x512xi32, #tpu.memory_space<vmem>>
        %dma_start3A_401 = tpu.memref_squeeze %dma_start3A_400 : memref<1x512xi32, #tpu.memory_space<vmem>> -> memref<512xi32, #tpu.memory_space<vmem>>
        %dma_start3A_402 = arith.constant 0 : i32
        %dma_start3A_403 = arith.constant 0 : i32
        %dma_start3A_404 = tpu.memref_slice %arg3[%dma_start3A_402, %dma_start3A_403] : memref<1000000x64xf32, #tpu.memory_space<hbm>> -> memref<1000000x64xf32, #tpu.memory_space<hbm>>
        tpu.enqueue_indirect_dma source(%dma_start3A_404 : memref<1000000x64xf32, #tpu.memory_space<hbm>>) target(%dma_start3A_398 : memref<512x64xf32, #tpu.memory_space<vmem>>) offsets(%dma_start3A_401 : memref<512xi32, #tpu.memory_space<vmem>>) semaphore(%arg9 : memref<!tpu.dma_semaphore, #tpu.memory_space<semaphore_mem>>)
      } else {
      }
      %add3A_291 = arith.constant 1 : i32
      %add3A_292 = arith.addi %mul3A_113, %add3A_291 : i32
      %add3A_293 = arith.addi %mul3A_2, %add3A_292 : i32
      %jit3A_294 = arith.constant 32 : i32
      %div3A_295 = arith.divsi %add3A_293, %jit3A_294 : i32
      %sign3A_296 = arith.constant 0 : i32
      %sign3A_297 = arith.cmpi sgt, %add3A_293, %sign3A_296 : i32
      %sign3A_298 = arith.extui %sign3A_297 : i1 to i32
      %sign3A_299 = arith.constant 0 : i32
      %sign3A_300 = arith.cmpi slt, %add3A_293, %sign3A_299 : i32
      %sign3A_301 = arith.extui %sign3A_300 : i1 to i32
      %sign3A_302 = arith.subi %sign3A_298, %sign3A_301 : i32
      %sign3A_303 = arith.constant 0 : i32
      %sign3A_304 = arith.cmpi sgt, %jit3A_294, %sign3A_303 : i32
      %sign3A_305 = arith.extui %sign3A_304 : i1 to i32
      %sign3A_306 = arith.constant 0 : i32
      %sign3A_307 = arith.cmpi slt, %jit3A_294, %sign3A_306 : i32
      %sign3A_308 = arith.extui %sign3A_307 : i1 to i32
      %sign3A_309 = arith.subi %sign3A_305, %sign3A_308 : i32
      %ne3A_310 = arith.cmpi ne, %sign3A_302, %sign3A_309 : i32
      %rem3A_311 = arith.remsi %add3A_293, %jit3A_294 : i32
      %ne3A_312 = arith.constant 0 : i32
      %ne3A_313 = arith.cmpi ne, %rem3A_311, %ne3A_312 : i32
      %and3A_314 = arith.andi %ne3A_310, %ne3A_313 : i1
      %sub3A_315 = arith.constant 1 : i32
      %sub3A_316 = arith.subi %div3A_295, %sub3A_315 : i32
      %select_n3A_317 = arith.select %and3A_314, %sub3A_316, %div3A_295 : i32
      %jit3A_318 = arith.constant 32 : i32
      %eq3A_319 = arith.constant 0 : i32
      %eq3A_320 = arith.cmpi eq, %jit3A_318, %eq3A_319 : i32
      %jit3A_321 = arith.constant 1 : i32
      %select_n3A_322 = arith.select %eq3A_320, %jit3A_321, %jit3A_318 : i32
      %rem3A_323 = arith.remsi %add3A_293, %select_n3A_322 : i32
      %ne3A_324 = arith.constant 0 : i32
      %ne3A_325 = arith.cmpi ne, %rem3A_323, %ne3A_324 : i32
      %lt3A_326 = arith.constant 0 : i32
      %lt3A_327 = arith.cmpi slt, %rem3A_323, %lt3A_326 : i32
      %lt3A_328 = arith.constant 0 : i32
      %lt3A_329 = arith.cmpi slt, %select_n3A_322, %lt3A_328 : i32
      %ne3A_330 = arith.xori %lt3A_327, %lt3A_329 : i1
      %and3A_331 = arith.andi %ne3A_330, %ne3A_325 : i1
      %add3A_332 = arith.addi %rem3A_323, %select_n3A_322 : i32
      %select_n3A_333 = arith.select %and3A_331, %add3A_332, %rem3A_323 : i32
      %dma_wait3A_334 = arith.constant 0 : i32
      %dma_wait3A_335 = arith.constant 0 : i32
      %dma_wait3A_336 = tpu.memref_slice %arg4[%select_n3A_317, %select_n3A_333, %dma_wait3A_334, %dma_wait3A_335] : memref<50x32x512x64xf32, #tpu.memory_space<hbm>> -> memref<1x1x512x64xf32, #tpu.memory_space<hbm>>
      %dma_wait3A_337 = arith.constant 0 : i32
      %dma_wait3A_338 = arith.constant 0 : i32
      %dma_wait3A_339 = tpu.memref_slice %arg4[%select_n3A_317, %select_n3A_333, %dma_wait3A_337, %dma_wait3A_338] : memref<50x32x512x64xf32, #tpu.memory_space<hbm>> -> memref<1x1x512x64xf32, #tpu.memory_space<hbm>>
      tpu.wait_dma2 semaphore(%arg12 : memref<!tpu.dma_semaphore, #tpu.memory_space<semaphore_mem>>) src(%arg8 : memref<1x1x512x64xf32, #tpu.memory_space<vmem>>) dst(%dma_wait3A_339 : memref<1x1x512x64xf32, #tpu.memory_space<hbm>>)
      %add3A_340 = arith.constant 2 : i32
      %add3A_341 = arith.addi %add3A_292, %add3A_340 : i32
      %lt3A_342 = arith.constant 50 : i32
      %lt3A_343 = arith.cmpi slt, %add3A_341, %lt3A_342 : i32
      %convert_element_type3A_344 = arith.extui %lt3A_343 : i1 to i32
      %cond3A_345 = arith.constant 0 : i32
      %cond3A_346 = arith.cmpi ne, %convert_element_type3A_344, %cond3A_345 : i32
      scf.if %cond3A_346 {
        %add3A_347 = arith.constant 2 : i32
        %add3A_348 = arith.addi %add3A_292, %add3A_347 : i32
        %add3A_349 = arith.addi %mul3A_2, %add3A_348 : i32
        %jit3A_350 = arith.constant 32 : i32
        %div3A_351 = arith.divsi %add3A_349, %jit3A_350 : i32
        %sign3A_352 = arith.constant 0 : i32
        %sign3A_353 = arith.cmpi sgt, %add3A_349, %sign3A_352 : i32
        %sign3A_354 = arith.extui %sign3A_353 : i1 to i32
        %sign3A_355 = arith.constant 0 : i32
        %sign3A_356 = arith.cmpi slt, %add3A_349, %sign3A_355 : i32
        %sign3A_357 = arith.extui %sign3A_356 : i1 to i32
        %sign3A_358 = arith.subi %sign3A_354, %sign3A_357 : i32
        %sign3A_359 = arith.constant 0 : i32
        %sign3A_360 = arith.cmpi sgt, %jit3A_350, %sign3A_359 : i32
        %sign3A_361 = arith.extui %sign3A_360 : i1 to i32
        %sign3A_362 = arith.constant 0 : i32
        %sign3A_363 = arith.cmpi slt, %jit3A_350, %sign3A_362 : i32
        %sign3A_364 = arith.extui %sign3A_363 : i1 to i32
        %sign3A_365 = arith.subi %sign3A_361, %sign3A_364 : i32
        %ne3A_366 = arith.cmpi ne, %sign3A_358, %sign3A_365 : i32
        %rem3A_367 = arith.remsi %add3A_349, %jit3A_350 : i32
        %ne3A_368 = arith.constant 0 : i32
        %ne3A_369 = arith.cmpi ne, %rem3A_367, %ne3A_368 : i32
        %and3A_370 = arith.andi %ne3A_366, %ne3A_369 : i1
        %sub3A_371 = arith.constant 1 : i32
        %sub3A_372 = arith.subi %div3A_351, %sub3A_371 : i32
        %select_n3A_373 = arith.select %and3A_370, %sub3A_372, %div3A_351 : i32
        %jit3A_374 = arith.constant 32 : i32
        %eq3A_375 = arith.constant 0 : i32
        %eq3A_376 = arith.cmpi eq, %jit3A_374, %eq3A_375 : i32
        %jit3A_377 = arith.constant 1 : i32
        %select_n3A_378 = arith.select %eq3A_376, %jit3A_377, %jit3A_374 : i32
        %rem3A_379 = arith.remsi %add3A_349, %select_n3A_378 : i32
        %ne3A_380 = arith.constant 0 : i32
        %ne3A_381 = arith.cmpi ne, %rem3A_379, %ne3A_380 : i32
        %lt3A_382 = arith.constant 0 : i32
        %lt3A_383 = arith.cmpi slt, %rem3A_379, %lt3A_382 : i32
        %lt3A_384 = arith.constant 0 : i32
        %lt3A_385 = arith.cmpi slt, %select_n3A_378, %lt3A_384 : i32
        %ne3A_386 = arith.xori %lt3A_383, %lt3A_385 : i1
        %and3A_387 = arith.andi %ne3A_386, %ne3A_381 : i1
        %add3A_388 = arith.addi %rem3A_379, %select_n3A_378 : i32
        %select_n3A_389 = arith.select %and3A_387, %add3A_388, %rem3A_379 : i32
        %mul3A_390 = arith.constant 512 : i32
        %mul3A_391 = arith.muli %select_n3A_389, %mul3A_390 : i32
        "tpu.region"() ({
          %run_scoped3A = tpu.sem_alloc : memref<!tpu.dma_semaphore, #tpu.memory_space<semaphore_mem>>
          %dma_start3A_405 = tpu.memref_slice %arg2[%select_n3A_373, %mul3A_391] : memref<50x16384xi32, #tpu.memory_space<hbm>> -> memref<1x512xi32, #tpu.memory_space<hbm>>
          %dma_start3A_406 = tpu.memref_slice %arg2[%select_n3A_373, %mul3A_391] : memref<50x16384xi32, #tpu.memory_space<hbm>> -> memref<1x512xi32, #tpu.memory_space<hbm>>
          tpu.enqueue_dma source(%dma_start3A_406 : memref<1x512xi32, #tpu.memory_space<hbm>>) target(%arg6 : memref<1x512xi32, #tpu.memory_space<vmem>>) target_semaphore(%run_scoped3A : memref<!tpu.dma_semaphore, #tpu.memory_space<semaphore_mem>>)
          %dma_wait3A_407 = tpu.memref_slice %arg2[%select_n3A_373, %mul3A_391] : memref<50x16384xi32, #tpu.memory_space<hbm>> -> memref<1x512xi32, #tpu.memory_space<hbm>>
          %dma_wait3A_408 = tpu.memref_slice %arg2[%select_n3A_373, %mul3A_391] : memref<50x16384xi32, #tpu.memory_space<hbm>> -> memref<1x512xi32, #tpu.memory_space<hbm>>
          tpu.wait_dma2 semaphore(%run_scoped3A : memref<!tpu.dma_semaphore, #tpu.memory_space<semaphore_mem>>) src(%dma_wait3A_408 : memref<1x512xi32, #tpu.memory_space<hbm>>) dst(%arg6 : memref<1x512xi32, #tpu.memory_space<vmem>>)
          tpu.yield
        }) : () -> ()
        %dma_start3A_392 = arith.constant 0 : i32
        %dma_start3A_393 = arith.constant 0 : i32
        %dma_start3A_394 = arith.constant 0 : i32
        %dma_start3A_395 = arith.constant 0 : i32
        %dma_start3A_396 = arith.constant 0 : i32
        %dma_start3A_397 = tpu.memref_slice %arg8[%dma_start3A_393, %dma_start3A_394, %dma_start3A_395, %dma_start3A_396] : memref<1x1x512x64xf32, #tpu.memory_space<vmem>> -> memref<1x1x512x64xf32, #tpu.memory_space<vmem>>
        %dma_start3A_398 = tpu.memref_squeeze %dma_start3A_397 : memref<1x1x512x64xf32, #tpu.memory_space<vmem>> -> memref<512x64xf32, #tpu.memory_space<vmem>>
        %dma_start3A_399 = arith.constant 0 : i32
        %dma_start3A_400 = tpu.memref_slice %arg6[%dma_start3A_392, %dma_start3A_399] : memref<1x512xi32, #tpu.memory_space<vmem>> -> memref<1x512xi32, #tpu.memory_space<vmem>>
        %dma_start3A_401 = tpu.memref_squeeze %dma_start3A_400 : memref<1x512xi32, #tpu.memory_space<vmem>> -> memref<512xi32, #tpu.memory_space<vmem>>
        %dma_start3A_402 = arith.constant 0 : i32
        %dma_start3A_403 = arith.constant 0 : i32
        %dma_start3A_404 = tpu.memref_slice %arg3[%dma_start3A_402, %dma_start3A_403] : memref<1000000x64xf32, #tpu.memory_space<hbm>> -> memref<1000000x64xf32, #tpu.memory_space<hbm>>
        tpu.enqueue_indirect_dma source(%dma_start3A_404 : memref<1000000x64xf32, #tpu.memory_space<hbm>>) target(%dma_start3A_398 : memref<512x64xf32, #tpu.memory_space<vmem>>) offsets(%dma_start3A_401 : memref<512xi32, #tpu.memory_space<vmem>>) semaphore(%arg10 : memref<!tpu.dma_semaphore, #tpu.memory_space<semaphore_mem>>)
      } else {
      }
    }
    %scan3A_110 = arith.constant 25 : i32
    return
  }
}

</mosaic_0001>

<sc_bundles>
// kernel: kernel.3.cloned.1.call-start
scs
__scs_entry_jumppad:
0x0: {  	(pc) =	sbr.rel $0x88, $3  }
0x1: {  	(tag) =	ssettag $0x0;
	lr =	simm.s32 $0x1  }
0x2: {  	[smem:$0x3F9F] =	sst lr;
	_ =	strace $0xD0000000  }
0x3: {  	_ = 	snop  }
0x4: {  	_ = 	snop  }
0x5: {  	_ = 	snop  }
0x6: {  	_ = 	snop  }
0x7: {  	_ = 	snop  }
__scs_overlays_trampoline_lowered:
0x8: {  	[smem:$0x3FAE] =	sst s0  }
0x9: {  	[smem:$0x3FAF] =	sst s1  }
0xa: {  	[smem:$0x3FB0] =	sst s2  }
0xb: {  	[smem:$0x3FB1] =	sst s3  }
0xc: {  	[smem:$0x3FB2] =	sst s4  }
0xd: {  	[smem:$0x3FB3] =	sst s5  }
0xe: {  	[smem:$0x3FB4] =	sst s6  }
0xf: {  	[smem:$0x3FB5] =	sst s7  }
0x10: {  	[smem:$0x3FB6] =	sst s8  }
0x11: {  	[smem:$0x3FB7] =	sst s9;
	s0 =	simm.s32 @!p0 $0x0  }
0x12: {  	s1 =	sld [smem:$0x3F9D];
	s0 =	simm.s32 @p0 $0x1  }
0x13: {  	[smem:$0x3FB8] =	sst s0;
	s0 =	simm.s32 @!p1 $0x0  }
0x14: {  	s2 =	sld [smem:$0x3F9C];
	s0 =	simm.s32 @p1 $0x1  }
0x15: {  	[smem:$0x3FB9] =	sst s0;
	s0 =	simm.s32 @!p2 $0x0  }
0x16: {  	s3 =	sld [smem:$0x3FDB];
	s0 =	simm.s32 @p2 $0x1  }
0x17: {  	s4 =	simm.s32 $0x1BF5;
	[smem:$0x3FBB] =	sst s0  }
0x18: {  	s0 =	sld [smem:$0x3F9E];
	_ =	swait.ge [sflag:s4], $0x0  }
0x19: {  	s7 =	sld [smem:$0x3F9F]  }
0x1a: {  	s8 =	sadd.s32 $0xFFFFE003, lr  }
0x1b: {  	s9 =	sadd.s32 $0xFFFFFEF7, lr;
	s5 =	simm.s32 $0xFFFFFFFF;
	p2 =	slt.u32 s8, $0xFFFFF086  }
0x1c: {  	p1 =	slt.u32 s9, $0xF7A;
	s5 =	simm.s32 @!p2 $0x0  }
0x1d: {  	s5 =	simm.s32 @p1 $0x1;
	p0 =	seq.s32 s7, s2  }
0x1e: {  	s7 =	smul.u32 @!p0 $0xF7A, s2;
	p2 =	seq.s32 @!p0 s5, $0x0  }
0x1f: {  	s9 =	smul.u32 $0xF7A, s1;
	s8 =	simm.s32 @!p0 $0x1BF5;
	p2 =	por !p2, p0  }
0x20: {  	[sflag:s8] =	ssyncset.s32 @!p0 $0xFFFFF086;
	s6 =	sadd.s32 @!p0 s3, s7;
	s7 =	simm.s32 @!p0 $0x108  }
0x21: {  	s3 =	sadd.s32 s3, s9;
	s6 =	sadd.s32 @!p0 $0x88, s6;
	s7 =	simm.s32 @p2 $0x1082  }
0x22: {  	[simem:s7], [sflag:s8] =	dma.local @!p0 [hbm:s6], $0xF7A  }
0x23: {  	s9 =	sor.u32 $0xD0000000, s2;
	s6 =	simm.s32 $0x108;
	_ =	swait.ge @!p0 [sflag:s8], $0x0  }
0x24: {  	s3 =	sadd.s32 $0x88, s3;
	s6 =	simm.s32 @!p1 $0x1082;
	[sflag:s4] =	ssyncset.s32 $0xFFFFF086  }
0x25: {  	[simem:s6], [sflag:s4] =	dma.local [hbm:s3], $0xF7A  }
0x26: {  	[smem:$0x3F9F] =	sst s1;
	(tag) =	ssettag s2;
	_ =	strace s9  }
0x27: {  	s1 =	sld [smem:$0x3FAF]  }
0x28: {  	s2 =	sld [smem:$0x3FB0]  }
0x29: {  	s4 =	sld [smem:$0x3FB2]  }
0x2a: {  	p0 =	seq.s32 s5, $0x0;
	s5 =	sld [smem:$0x3FB3]  }
0x2b: {  	s6 =	sld [smem:$0x3FB4]  }
0x2c: {  	s7 =	sld [smem:$0x3FB5]  }
0x2d: {  	s3 =	simm.s32 $0x108;
	s8 =	sld [smem:$0x3FB6]  }
0x2e: {  	s3 =	simm.s32 @!p0 $0x1082;
	s9 =	sld [smem:$0x3FB7]  }
0x2f: {  	lr =	sadd.s32 s0, s3;
	s0 =	sld [smem:$0x3FAE]  }
0x30: {  	s3 =	sld [smem:$0x3FB1]  }
0x31: {  	[smem:$0x3FBA] =	sst s10  }
0x32: {  	s10 =	sld [smem:$0x3FB8];
	_ =	sdelay $0x3  }
0x33: {  	p0 =	seq.s32 s10, $0x1;
	s10 =	sld [smem:$0x3FBA];
	_ =	sdelay $0x3  }
0x34: {  	[smem:$0x3FBA] =	sst s10  }
0x35: {  	s10 =	sld [smem:$0x3FB9];
	_ =	sdelay $0x3  }
0x36: {  	p1 =	seq.s32 s10, $0x1;
	s10 =	sld [smem:$0x3FBA];
	_ =	sdelay $0x3  }
0x37: {  	[smem:$0x3FBA] =	sst s10  }
0x38: {  	s10 =	sld [smem:$0x3FBB]  }
0x39: {  	_ = 	snop;
	(pc) =	sbr.ind lr, $3  }
0x3a: {  	_ = 	snop  }
0x3b: {  	_ = 	snop  }
0x3c: {  	p2 =	seq.s32 s10, $0x1;
	s10 =	sld [smem:$0x3FBA]  }
0x3d: {  	_ =	shalt  }
0x3e: {  	_ =	shalt  }
0x3f: {  	_ =	shalt  }
0x40: {  	_ =	shalt  }
0x41: {  	_ =	shalt  }
0x42: {  	_ =	shalt  }
0x43: {  	_ =	shalt  }
0x44: {  	_ =	shalt  }
0x45: {  	_ =	shalt  }
0x46: {  	_ =	shalt  }
0x47: {  	_ =	shalt  }
0x48: {  	_ =	shalt  }
0x49: {  	_ =	shalt  }
0x4a: {  	_ =	shalt  }
0x4b: {  	_ =	shalt  }
0x4c: {  	_ =	shalt  }
0x4d: {  	_ =	shalt  }
0x4e: {  	_ =	shalt  }
0x4f: {  	_ =	shalt  }
0x50: {  	_ =	shalt  }
0x51: {  	_ =	shalt  }
0x52: {  	_ =	shalt  }
0x53: {  	_ =	shalt  }
0x54: {  	_ =	shalt  }
0x55: {  	_ =	shalt  }
0x56: {  	_ =	shalt  }
0x57: {  	_ =	shalt  }
0x58: {  	_ =	shalt  }
0x59: {  	_ =	shalt  }
0x5a: {  	_ =	shalt  }
0x5b: {  	_ =	shalt  }
0x5c: {  	_ =	shalt  }
0x5d: {  	_ =	shalt  }
0x5e: {  	_ =	shalt  }
0x5f: {  	_ =	shalt  }
0x60: {  	_ =	shalt  }
0x61: {  	_ =	shalt  }
0x62: {  	_ =	shalt  }
0x63: {  	_ =	shalt  }
0x64: {  	_ =	shalt  }
0x65: {  	_ =	shalt  }
0x66: {  	_ =	shalt  }
0x67: {  	_ =	shalt  }
0x68: {  	_ =	shalt  }
0x69: {  	_ =	shalt  }
0x6a: {  	_ =	shalt  }
0x6b: {  	_ =	shalt  }
0x6c: {  	_ =	shalt  }
0x6d: {  	_ =	shalt  }
0x6e: {  	_ =	shalt  }
0x6f: {  	_ =	shalt  }
0x70: {  	_ =	shalt  }
0x71: {  	_ =	shalt  }
0x72: {  	_ =	shalt  }
0x73: {  	_ =	shalt  }
0x74: {  	_ =	shalt  }
0x75: {  	_ =	shalt  }
0x76: {  	_ =	shalt  }
0x77: {  	_ =	shalt  }
0x78: {  	_ =	shalt  }
0x79: {  	_ =	shalt  }
0x7a: {  	_ =	shalt  }
0x7b: {  	_ =	shalt  }
0x7c: {  	_ =	shalt  }
0x7d: {  	_ =	shalt  }
0x7e: {  	_ =	shalt  }
0x7f: {  	_ =	shalt  }
0x80: {  	_ =	shalt  }
0x81: {  	_ =	shalt  }
0x82: {  	_ =	shalt  }
0x83: {  	_ =	shalt  }
0x84: {  	_ =	shalt  }
0x85: {  	_ =	shalt  }
0x86: {  	_ =	shalt  }
0x87: {  	_ =	shalt  }
.Lfunc_end0:
.L_simem_size_0:
called_computation.1_lowered:
.L_overlay_start_0:
0x88: {  	s2 =	sld [smem:$0x3FD9]  }
0x89: {  	s3 =	sld [smem:$0x3FFE];
	_ =	sdelay $0x1  }
0x8a: {  	s1 =	srdreg.scid  }
0x8b: {  	s0 =	sand.u32 $0x1, s1  }
0x8c: {  	s17 =	sshll.u32 s0, $0xA;
	s2 =	sadd.s32 s3, s2  }
0x8d: {  	s2 =	sadd.s32 s2, s17  }
0x8e: {  	[smem:$0x3FC6] =	sst s2  }
0x8f: {  	_ = 	snop  }
0x90: {  	s2 =	sld [smem:$0x3FD0];
	(tm) =	ssettm $0x1  }
0x91: {  	s18 =	sld [smem:$0x3FFB];
	_ =	sdelay $0x3  }
0x92: {  	_ =	strace s18  }
0x93: {  	s3 =	sld [smem:$0x3FFC];
	_ =	sdelay $0x3  }
0x94: {  	_ =	strace s3  }
0x95: {  	s3 =	sld [smem:$0x3FFD];
	_ =	sdelay $0x3  }
0x96: {  	_ =	strace s3  }
0x97: {  	_ =	strace $0x8FFFFFFF  }
0x98: {  	s19 =	sld [smem:$0x3FDB];
	_ =	sdelay $0x1  }
0x99: {  	s4 =	simm.s32 $_scs_section_size  }
0x9a: {  	s5 =	simm.s32 $_size__tile_overlayer_lowered;
	s6 =	simm.s32 $_tile_overlayer_lowered  }
0x9b: {  	s22 =	simm.s32 $0x1BFF;
	s21 =	sshll.u32 s6, $0x1;
	s3 =	sadd.s32 s4, s19  }
0x9c: {  	s7 =	simm.s32 $0x0;
	s20 =	sshll.u32 s5, $0x1;
	s5 =	sadd.s32 s21, s3  }
0x9d: {  	[timem:s7], [sflag:s22] =	dma.local [hbm:s5], s20  }
0x9e: {  	_ =	swait.ge [sflag:s22], s20  }
0x9f: {  	s4 =	ssub.s32 $0x0, s20;
	[sflag:s22] =	ssyncset.done $0x0  }
0xa0: {  	[sflag:s22] =	ssyncadd.s32 s4;
	_ =	sdelay $0x1  }
0xa1: {  	s23 =	simm.s32 $0x1B8B  }
0xa2: {  	_ =	swait.ge [sflag:s23], $0x1  }
0xa3: {  	[sflag:s23] =	ssyncset.done $0x0  }
0xa4: {  	s25 =	simm.s32 $0x1B8E;
	s24 =	sld [smem:$0x3FFE];
	[sflag:s23] =	ssyncadd.s32 $0xFFFFFFFF  }
0xa5: {  	s26 =	simm.s32 $execute0_lowered;
	[smem:$0x3FD2] =	sst s25  }
0xa6: {  	s5 =	sshll.u32 s26, $0x1;
	_ =	strace $0x80000046;
	[dreg:$0x1] =	wrdreg $0xFFFFFFFF  }
0xa7: {  	s28 =	simm.s32 $_size_execute0_lowered;
	s3 =	sadd.s32 s3, s5;
	[dreg:$0x0] =	wrdreg $0x0  }
0xa8: {  	s5 =	sshll.u32 s28, $0x1;
	[dreg:$0x2] =	wrdreg s3  }
0xa9: {  	[dreg:$0x3] =	wrdreg s5  }
0xaa: {  	[dreg:$0x4] =	wrdreg $0xC0  }
0xab: {  	_ =	task [dreg:s7], $0x5FFFF  }
0xac: {  	[dreg:$0x1] =	wrdreg $0xFFFFFFFF  }
0xad: {  	[dreg:$0x0] =	wrdreg $0x60  }
0xae: {  	[dreg:$0x2] =	wrdreg s24  }
0xaf: {  	[dreg:$0x3] =	wrdreg s2  }
0xb0: {  	[dreg:$0x4] =	wrdreg $0x9  }
0xb1: {  	_ =	task.clear_ibuf [dreg:s7], $0x5FFFF;
	_ =	strace $0x90000046  }
0xb2: {  	s29 =	simm.s32 $0x9;
	_ =	strace $0x80000048  }
0xb3: {  	_ =	swait.ge [sflag:s29], $0x1  }
0xb4: {  	[sflag:s29] =	ssyncadd.s32 $0xFFFFFFFF  }
0xb5: {  	_ =	strace $0x90000048  }
0xb6: {  	_ =	sfence  }
0xb7: {  	s30 =	sld [smem:$0x0];
	_ =	sdelay $0x2  }
0xb8: {  	s31 =	sshll.u32 s1, $0xD;
	s1 =	sshrl.u32 s1, $0x2  }
0xb9: {  	s3 =	sand.u32 $0x4000, s31;
	s1 =	sadd.s32 s1, s30  }
0xba: {  	s0 =	sor.u32 s3, s0;
	s1 =	sshll.u32 s1, $0x11  }
0xbb: {  	s0 =	sor.u32 s1, s0  }
0xbc: {  	s0 =	sadd.s32 $0x8F2B, s0  }
0xbd: {  	[sflag:s0] =	ssyncadd.remote.s32 $0x1  }
0xbe: {  	_ =	sfence.sel $0xFFFF  }
0xbf: {  	[dreg:$0x0] =	wrdreg $0xFFFFFFFF;
	(pc) =	sbr.abs _section_cstart, $3  }
0xc0: {  	[dreg:$0x1] =	wrdreg $0xFFFFFFFF  }
0xc1: {  	_ =	task.clear_ibuf [dreg:s7], $0x2FFFF;
	_ =	strace $0x9FFFFFFF  }
0xc2: {  	(tm) =	ssettm $0x7FFFFFFF  }
0xc3: {  	_ =	shalt  }
tec
execute0_lowered:
.L_overlay_start_1:
0x0: {  	(tag) =	ssettag $0x1  }
0x1: {  	s1 =	srdreg.scid;
	s3 =	rddreg [dreg:$0x0]  }
0x2: {  	s0 =	stileid.u32;
	s10 =	rddreg [dreg:$0x1]  }
0x3: {  	s2 =	simm.s32 $0x0;
	s15 =	simm.s32 $0x400;
	s16 =	simm.s32 $0x8400  }
0x4: {  	s17 =	simm.s32 $0x1;
	s18 =	simm.s32 $0x2;
	s19 =	simm.s32 $0x3  }
0x5: {  	s20 =	simm.s32 $0x4;
	s21 =	simm.s32 $0x0;
	s8 =	smul.u32 $0x64, s0  }
0x6: {  	s9 =	sand.u32 $0x1, s1;
	s1 =	rddreg [dreg:$0x2];
	s14 =	smul.u32 $0x64000, s0  }
0x7: {  	s25 =	sshll.u32 s0, $0x1;
	[smem:$0x7FF] =	sst s2;
	s12 =	smul.u32 $0x32, s9  }
0x8: {  	s11 =	sadd.s32 $0xA00, s3;
	s4 =	sor.u32 s9, s25;
	s31 =	smul.u32 $0x32000, s9  }
0x9: {  	s3 =	sadd.s32 $0xF42E00, s3;
	s7 =	ssub.s32 $0x2, s9;
	s5 =	smul.u32 $0x6400, s4  }
0xa: {  	_ =	strace $0x80000047;
	s6 =	smul.u32 $0x2400, s4;
	s29 =	sshrl.u32 s7, $0x1  }
0xb: {  	s26 =	smul.u32 $0x32000, s4;
	s14 =	sadd.s32 s14, s10;
	s7 =	ssub.s32 s7, s29  }
0xc: {  	s12 =	sadd.s32 s12, s8;
	s5 =	sand.u32 $0xFC000, s5;
	s6 =	sand.u32 $0x3C00, s6  }
0xd: {  	s13 =	sadd.s32 s10, s26;
	s30 =	sshll.u32 s12, $0x6;
	s12 =	sshll.u32 s12, $0xC  }
0xe: {  	s5 =	sor.u32 s6, s5;
	s6 =	smax.u32 s7, $0x1;
	s7 =	sadd.s32 $0x30000, s13  }
0xf: {  	s8 =	sadd.s32 $0x31000, s13;
	s12 =	sadd.s32 s12, s10;
	s28 =	sshrl.u32 s5, $0x3  }
0x10: {  	s13 =	simm.s32 $0x5;
	s4 =	sadd.s32 s11, s28;
	s11 =	sadd.s32 s11, s30  }
0x11: {  	s5 =	sadd.s32 $0x40, s4;
	s9 =	sadd.s32 $0x80, s11;
	s10 =	sadd.s32 $0xC0, s11  }
0x12: {  	s11 =	sadd.s32 $0x1000, s12;
	s12 =	sadd.s32 s31, s14;
	s14 =	simm.s32 $0x200  }
.LBB2_1:
0x13: {  	[tilespmem:s2], [sflag:$0x5] =	stream.linear.gather [hbm4b:s4+s2], $0x200, $0x38;
	[tilespmem:$0x10400] =	vst v63  }
0x14: {  	_ =	swait.ge [sflag:s13], $0x200  }
0x15: {  	[sflag:s13] =	ssyncset.done $0x0  }
0x16: {  	[sflag:s13] =	ssyncadd.s32 $0xFFFFFE00  }
0x17: {  	[tilespmem:s15], [sflag:$0x1] =	stream.indirect.gather [hbm4b:s3+s14], $0x40, s2, s14, $0xb8;
	[tilespmem:$0x10400] =	vst v63  }
0x18: {  	_ = 	snop  }
0x19: {  	[tilespmem:s14], [sflag:$0x5] =	stream.linear.gather [hbm4b:s5+s2], $0x200, $0x38;
	[tilespmem:$0x10400] =	vst v63  }
0x1a: {  	_ =	swait.ge [sflag:s13], $0x200  }
0x1b: {  	[sflag:s13] =	ssyncset.done $0x0  }
0x1c: {  	[sflag:s13] =	ssyncadd.s32 $0xFFFFFE00  }
0x1d: {  	[tilespmem:s16], [sflag:$0x2] =	stream.indirect.gather [hbm4b:s3+s14], $0x40, s14, s14, $0xb8;
	[tilespmem:$0x10400] =	vst v63  }
0x1e: {  	_ =	swait.ge [sflag:s17], $0x8000  }
0x1f: {  	[sflag:s17] =	ssyncset.done $0x0  }
0x20: {  	[sflag:s17] =	ssyncadd.s32 $0xFFFF8000  }
0x21: {  	[hbm4b:s12+s2] =	stream.linear.scatter [tilespmem:s15], [sflag:$0x3], $0x8000, $0x38;
	[tilespmem:$0x10400] =	vst v63  }
0x22: {  	_ =	swait.ge [sflag:s18], $0x8000  }
0x23: {  	[sflag:s18] =	ssyncset.done $0x0  }
0x24: {  	[sflag:s18] =	ssyncadd.s32 $0xFFFF8000  }
0x25: {  	[hbm4b:s11+s2] =	stream.linear.scatter [tilespmem:s16], [sflag:$0x4], $0x8000, $0x38;
	[tilespmem:$0x10400] =	vst v63  }
0x26: {  	_ =	swait.ge [sflag:s19], $0x8000  }
0x27: {  	[sflag:s19] =	ssyncset.done $0x0  }
0x28: {  	s22 =	sadd.s32 $0x0, s9;
	[sflag:s19] =	ssyncadd.s32 $0xFFFF8000  }
0x29: {  	[tilespmem:s2], [sflag:$0x5] =	stream.linear.gather [hbm4b:s22+s2], $0x200, $0x38;
	[tilespmem:$0x10400] =	vst v63  }
0x2a: {  	_ =	swait.ge [sflag:s13], $0x200  }
0x2b: {  	[sflag:s13] =	ssyncset.done $0x0  }
0x2c: {  	[sflag:s13] =	ssyncadd.s32 $0xFFFFFE00  }
0x2d: {  	[tilespmem:s15], [sflag:$0x1] =	stream.indirect.gather [hbm4b:s3+s14], $0x40, s2, s14, $0xb8;
	[tilespmem:$0x10400] =	vst v63  }
0x2e: {  	_ =	swait.ge [sflag:s20], $0x8000  }
0x2f: {  	[sflag:s20] =	ssyncset.done $0x0  }
0x30: {  	s31 =	sadd.s32 $0x0, s10;
	[sflag:s20] =	ssyncadd.s32 $0xFFFF8000  }
0x31: {  	[tilespmem:s14], [sflag:$0x5] =	stream.linear.gather [hbm4b:s31+s2], $0x200, $0x38;
	[tilespmem:$0x10400] =	vst v63  }
0x32: {  	_ =	swait.ge [sflag:s13], $0x200  }
0x33: {  	s23 =	sadd.s32 $0x2000, s11;
	[sflag:s13] =	ssyncset.done $0x0  }
0x34: {  	s24 =	sadd.s32 $0x2000, s12;
	s22 =	simm.s32 $0x80;
	[sflag:s13] =	ssyncadd.s32 $0xFFFFFE00  }
.LBB2_2:
0x35: {  	[tilespmem:s16], [sflag:$0x2] =	stream.indirect.gather [hbm4b:s3+s14], $0x40, s14, s14, $0xb8;
	[tilespmem:$0x10400] =	vst v63  }
0x36: {  	s25 =	smov.u32 s22  }
0x37: {  	p0 =	sne.s32 s22, $0xB80;
	s22 =	sadd.s32 $0x80, s22;
	_ =	swait.ge [sflag:s17], $0x8000  }
0x38: {  	[sflag:s17] =	ssyncset.done $0x0  }
0x39: {  	[sflag:s17] =	ssyncadd.s32 $0xFFFF8000  }
0x3a: {  	[hbm4b:s24+s2] =	stream.linear.scatter [tilespmem:s15], [sflag:$0x3], $0x8000, $0x38;
	[tilespmem:$0x10400] =	vst v63  }
0x3b: {  	_ =	swait.ge [sflag:s18], $0x8000  }
0x3c: {  	[sflag:s18] =	ssyncset.done $0x0  }
0x3d: {  	[sflag:s18] =	ssyncadd.s32 $0xFFFF8000  }
0x3e: {  	[hbm4b:s23+s2] =	stream.linear.scatter [tilespmem:s16], [sflag:$0x4], $0x8000, $0x38;
	[tilespmem:$0x10400] =	vst v63  }
0x3f: {  	_ =	swait.ge [sflag:s19], $0x8000  }
0x40: {  	[sflag:s19] =	ssyncset.done $0x0  }
0x41: {  	s26 =	sadd.s32 s25, s9;
	[sflag:s19] =	ssyncadd.s32 $0xFFFF8000  }
0x42: {  	[tilespmem:s2], [sflag:$0x5] =	stream.linear.gather [hbm4b:s26+s2], $0x200, $0x38;
	[tilespmem:$0x10400] =	vst v63  }
0x43: {  	_ =	swait.ge [sflag:s13], $0x200  }
0x44: {  	[sflag:s13] =	ssyncset.done $0x0  }
0x45: {  	[sflag:s13] =	ssyncadd.s32 $0xFFFFFE00  }
0x46: {  	[tilespmem:s15], [sflag:$0x1] =	stream.indirect.gather [hbm4b:s3+s14], $0x40, s2, s14, $0xb8;
	[tilespmem:$0x10400] =	vst v63  }
0x47: {  	_ =	swait.ge [sflag:s20], $0x8000  }
0x48: {  	[sflag:s20] =	ssyncset.done $0x0  }
.Ltmp0:
0x49: {  	s25 =	sadd.s32 s25, s10;
	[sflag:s20] =	ssyncadd.s32 $0xFFFF8000;
	(pc) =	sbr.rel @p0 .LBB2_2-.Ltmp0, $4  }
0x4a: {  	[tilespmem:s14], [sflag:$0x5] =	stream.linear.gather [hbm4b:s25+s2], $0x200, $0x38;
	[tilespmem:$0x10400] =	vst v63  }
0x4b: {  	_ =	swait.ge [sflag:s13], $0x200  }
0x4c: {  	[sflag:s13] =	ssyncset.done $0x0  }
0x4d: {  	s24 =	sadd.s32 $0x2000, s24;
	s23 =	sadd.s32 $0x2000, s23;
	[sflag:s13] =	ssyncadd.s32 $0xFFFFFE00  }
0x4e: {  	[tilespmem:s16], [sflag:$0x2] =	stream.indirect.gather [hbm4b:s3+s14], $0x40, s14, s14, $0xb8;
	[tilespmem:$0x10400] =	vst v63  }
0x4f: {  	_ =	swait.ge [sflag:s17], $0x8000  }
0x50: {  	[sflag:s17] =	ssyncset.done $0x0  }
0x51: {  	[sflag:s17] =	ssyncadd.s32 $0xFFFF8000  }
0x52: {  	[hbm4b:s7+s2] =	stream.linear.scatter [tilespmem:s15], [sflag:$0x3], $0x8000, $0x38;
	[tilespmem:$0x10400] =	vst v63  }
0x53: {  	_ =	swait.ge [sflag:s18], $0x8000  }
0x54: {  	[sflag:s18] =	ssyncset.done $0x0  }
0x55: {  	s21 =	sadd.s32 $0x1, s21;
	[sflag:s18] =	ssyncadd.s32 $0xFFFF8000  }
0x56: {  	[hbm4b:s8+s2] =	stream.linear.scatter [tilespmem:s16], [sflag:$0x4], $0x8000, $0x38;
	[tilespmem:$0x10400] =	vst v63  }
0x57: {  	p0 =	sne.s32 s21, s6;
	_ =	swait.ge [sflag:s19], $0x8000  }
.Ltmp1:
0x58: {  	[sflag:s19] =	ssyncset.done $0x0;
	(pc) =	sbr.rel @p0 .LBB2_1-.Ltmp1, $4  }
0x59: {  	[sflag:s19] =	ssyncadd.s32 $0xFFFF8000  }
0x5a: {  	_ =	swait.ge [sflag:s20], $0x8000  }
0x5b: {  	[sflag:s20] =	ssyncset.done $0x0  }
0x5c: {  	[sflag:s20] =	ssyncadd.s32 $0xFFFF8000  }
0x5d: {  	_ =	sfence.sel $0x180000  }
0x5e: {  	[bflag:$0x0] =	sbarrier.arrive $0xFFFF  }
0x5f: {  	p0 =	sne.s32 s0, $0x0;
	_ =	strace $0x90000047  }
0x60: {  	s0 =	sadd.s32 @!p0 $0x100000, s1;
	[bflag:$0x2] =	sbarrier.arrive $0xFFFF  }
0x61: {  	[sflag:s0] =	ssyncadd.tile.s32 @!p0 $0x1;
	_ =	shalt  }
.Lfunc_end2:
_tile_overlayer_lowered:
.L_overlay_start_2:
0x62: {  	(tag) =	ssettag $0x2  }
0x63: {  	s0 =	rddreg [dreg:$0x0];
	s2 =	stileid.u32  }
0x64: {  	s1 =	rddreg [dreg:$0x1];
	p0 =	sne.s32 s2, $0x0  }
0x65: {  	s3 =	rddreg [dreg:$0x2];
	[bflag:$0x3] =	sbarrier.arrive $0xFFFF;
	s2 =	simm.s32 @!p0 $0x1C05  }
0x66: {  	[timem:s3], [sflag:s2] =	dma.local @!p0 [hbm:s0], s1  }
0x67: {  	s0 =	simm.s32 @!p0 $0x5  }
0x68: {  	_ =	swait.ge @!p0 [sflag:s0], s1  }
0x69: {  	s1 =	ssub.s32 @!p0 $0x0, s1;
	[sflag:s0] =	ssyncset.done @!p0 $0x0  }
0x6a: {  	[sflag:s0] =	ssyncadd.s32 @!p0 s1  }
0x6b: {  	[bflag:$0x3] =	sbarrier.arrive $0xFFFF  }
0x6c: {  	_ =	shalt  }

// kernel: sparse-core-data-format-call.cloned.1.call-start
scs
called_computation_lowered:
.L_overlay_start_0:
0x0: {  	s2 =	sld [smem:$0x3FD9]  }
0x1: {  	s3 =	sld [smem:$0x3FFE];
	_ =	sdelay $0x1  }
0x2: {  	s1 =	srdreg.scid  }
0x3: {  	s0 =	sand.u32 $0x1, s1  }
0x4: {  	s18 =	sshll.u32 s0, $0xA;
	s2 =	sadd.s32 s3, s2  }
0x5: {  	s2 =	sadd.s32 s2, s18  }
0x6: {  	[smem:$0x3FC6] =	sst s2  }
0x7: {  	_ = 	snop  }
0x8: {  	s2 =	sld [smem:$0x3FD0];
	(tm) =	ssettm $0x1  }
0x9: {  	s19 =	sld [smem:$0x3FFB];
	_ =	sdelay $0x3  }
0xa: {  	_ =	strace s19  }
0xb: {  	s3 =	sld [smem:$0x3FFC];
	_ =	sdelay $0x3  }
0xc: {  	_ =	strace s3  }
0xd: {  	s3 =	sld [smem:$0x3FFD];
	_ =	sdelay $0x3  }
0xe: {  	_ =	strace s3  }
0xf: {  	_ =	strace $0x8FFFFFFF  }
0x10: {  	s20 =	sld [smem:$0x3FDB];
	_ =	sdelay $0x1  }
0x11: {  	s4 =	simm.s32 $_scs_section_size  }
0x12: {  	s5 =	simm.s32 $_size__tile_overlayer_lowered;
	s6 =	simm.s32 $_tile_overlayer_lowered  }
0x13: {  	s23 =	simm.s32 $0x1BFF;
	s22 =	sshll.u32 s6, $0x1;
	s3 =	sadd.s32 s4, s20  }
0x14: {  	s7 =	simm.s32 $0x0;
	s21 =	sshll.u32 s5, $0x1;
	s5 =	sadd.s32 s22, s3  }
0x15: {  	[timem:s7], [sflag:s23] =	dma.local [hbm:s5], s21  }
0x16: {  	_ =	swait.ge [sflag:s23], s21  }
0x17: {  	s4 =	ssub.s32 $0x0, s21;
	[sflag:s23] =	ssyncset.done $0x0  }
0x18: {  	[sflag:s23] =	ssyncadd.s32 s4;
	_ =	sdelay $0x1  }
0x19: {  	s24 =	simm.s32 $0x1B8B  }
0x1a: {  	_ =	swait.ge [sflag:s24], $0x1  }
0x1b: {  	[sflag:s24] =	ssyncset.done $0x0  }
0x1c: {  	s26 =	simm.s32 $0x1B8E;
	s25 =	sld [smem:$0x3FFE];
	[sflag:s24] =	ssyncadd.s32 $0xFFFFFFFF  }
0x1d: {  	s27 =	simm.s32 $execute0_lowered;
	[smem:$0x3FD2] =	sst s26  }
0x1e: {  	s5 =	sshll.u32 s27, $0x1;
	_ =	strace $0x80000049;
	[dreg:$0x1] =	wrdreg $0xFFFFFFFF  }
0x1f: {  	s28 =	simm.s32 $_size_execute0_lowered;
	s3 =	sadd.s32 s3, s5;
	[dreg:$0x0] =	wrdreg $0x0  }
0x20: {  	s5 =	sshll.u32 s28, $0x1;
	[dreg:$0x2] =	wrdreg s3  }
0x21: {  	[dreg:$0x3] =	wrdreg s5  }
0x22: {  	[dreg:$0x4] =	wrdreg $0xC0  }
0x23: {  	_ =	task [dreg:s7], $0x5FFFF  }
0x24: {  	[dreg:$0x1] =	wrdreg $0xFFFFFFFF  }
0x25: {  	[dreg:$0x0] =	wrdreg $0x60  }
0x26: {  	[dreg:$0x2] =	wrdreg s25  }
0x27: {  	[dreg:$0x3] =	wrdreg s2  }
0x28: {  	[dreg:$0x4] =	wrdreg $0x9  }
0x29: {  	_ =	task.clear_ibuf [dreg:s7], $0x5FFFF;
	_ =	strace $0x90000049  }
0x2a: {  	s29 =	simm.s32 $0x9;
	_ =	strace $0x8000004B  }
0x2b: {  	_ =	swait.ge [sflag:s29], $0x1  }
0x2c: {  	[sflag:s29] =	ssyncadd.s32 $0xFFFFFFFF  }
0x2d: {  	_ =	strace $0x9000004B  }
0x2e: {  	_ =	sfence  }
0x2f: {  	s30 =	sld [smem:$0x0];
	_ =	sdelay $0x2  }
0x30: {  	s31 =	sshll.u32 s1, $0xD;
	s1 =	sshrl.u32 s1, $0x2  }
0x31: {  	s3 =	sand.u32 $0x4000, s31;
	s1 =	sadd.s32 s1, s30  }
0x32: {  	s0 =	sor.u32 s3, s0;
	s1 =	sshll.u32 s1, $0x11  }
0x33: {  	s0 =	sor.u32 s1, s0  }
0x34: {  	s0 =	sadd.s32 $0x8F2B, s0  }
0x35: {  	[sflag:s0] =	ssyncadd.remote.s32 $0x1  }
0x36: {  	_ =	sfence.sel $0xFFFF  }
0x37: {  	[dreg:$0x0] =	wrdreg $0xFFFFFFFF;
	(pc) =	sbr.abs _section_cstart, $3  }
0x38: {  	[dreg:$0x1] =	wrdreg $0xFFFFFFFF  }
0x39: {  	_ =	task.clear_ibuf [dreg:s7], $0x2FFFF;
	_ =	strace $0x9FFFFFFF  }
0x3a: {  	(tm) =	ssettm $0x7FFFFFFF  }
0x3b: {  	_ =	shalt  }
tec
execute0_lowered:
.L_overlay_start_1:
0x0: {  	(tag) =	ssettag $0x1  }
0x1: {  	s0 =	srdreg.scid  }
0x2: {  	s1 =	sshll.u32 s0, $0x4  }
0x3: {  	s0 =	stileid.u32;
	s1 =	sand.u32 $0x10, s1  }
0x4: {  	s7 =	rddreg [dreg:$0x0];
	s1 =	sor.u32 s0, s1  }
0x5: {  	s4 =	simm.s32 $0x1;
	s8 =	simm.s32 $0x2;
	s2 =	sshll.u32 s1, $0x7  }
0x6: {  	s13 =	simm.s32 $0x0;
	s9 =	simm.s32 $0x20000;
	s1 =	ssub.s32 $0x4000, s2  }
0x7: {  	s14 =	simm.s32 $0x0;
	s11 =	simm.s32 $0x0;
	s3 =	sand.u32 $0xF80, s1  }
0x8: {  	s12 =	simm.s32 $0x0;
	s5 =	sshrl.u32 s1, $0xC;
	p0 =	sne.s32 s3, $0x0  }
.Ltmp0:
0x9: {  	s1 =	rddreg [dreg:$0x2];
	s4 =	simm.s32 @!p0 $0x0;
	(pc) =	sbr.rel .LBB1_1-.Ltmp0, $4  }
0xa: {  	s6 =	sadd.s32 $0xA00, s7;
	s3 =	rddreg [dreg:$0x1];
	s5 =	sadd.s32 s4, s5  }
0xb: {  	_ =	strace $0x8000004A;
	s4 =	simm.s32 $0x1;
	s5 =	smul.u32 $0x19, s5  }
0xc: {  	s7 =	sadd.s32 $0x40A00, s7;
	s10 =	smov.u32 s2;
	[sflag:s4] =	ssyncpa.u1 $0x0  }
0xd: {  	p0 =	por $0x0, $0x0;
	[sflag:s8] =	ssyncpa.u1 $0x0;
	s8 =	sadd.s32 $0x1, s5  }
.LBB1_7:
0xe: {  	s15 =	sadd.s32 $0x1000, s10  }
0xf: {  	s13 =	sadd.s32 $0x2, s11;
	s17 =	smov.u32 s11;
	p2 =	sgt.s32 s15, $0x3FFF  }
0x10: {  	s17 =	smov.u32 @p2 s13  }
0x11: {  	s15 =	smov.u32 @p2 s2;
	p2 =	sgt.s32 s17, $0x31  }
0x12: {  	s17 =	simm.s32 @p2 $0x0;
	p2 =	sne.s32 s12, s8  }
.Ltmp1:
0x13: {  	p1 =	slt.u32 s12, $0x2;
	(pc) =	sbr.rel @!p2 .LBB1_8-.Ltmp1, $4  }
0x14: {  	s16 =	simm.s32 @!p1 $0x2  }
0x15: {  	s14 =	smov.u32 s11;
	p0 =	por !p0, !p0;
	_ =	swait.ge @!p1 [sflag:s16], $0x4000  }
0x16: {  	s13 =	smov.u32 s10;
	[sflag:s16] =	ssyncset.done @!p1 $0x0;
	s10 =	smov.u32 s15  }
0x17: {  	s12 =	sadd.s32 $0x1, s12;
	[sflag:s16] =	ssyncadd.s32 @!p1 $0xFFFFC000;
	s11 =	smov.u32 s17  }
.LBB1_1:
0x18: {  	p1 =	sge.u32 s12, s5  }
0x19: {  	s15 =	sxor.u32 @!p1 $0xFFFFFFFF, s12;
	s16 =	sshll.u32 @!p1 s11, $0x12  }
0x1a: {  	s17 =	sshll.u32 @!p1 s10, $0x4;
	s19 =	simm.s32 @!p1 $0x40;
	s20 =	simm.s32 @!p1 $0x80  }
0x1b: {  	s15 =	sshll.u32 @!p1 s15, $0xE;
	s17 =	sand.u32 @!p1 $0x3FFF0, s17;
	s18 =	sadd.s32 @!p1 s6, s16  }
0x1c: {  	s16 =	sadd.s32 @!p1 s16, s7;
	s15 =	sand.u32 @!p1 $0x4000, s15;
	s18 =	sadd.s32 @!p1 s17, s18  }
0x1d: {  	[tilespmem:s15], [sflag:$0x1] =	stream.strided.gather @!p1 [hbm4b:s18+s19], $0x2000, s20, s19, $0x38;
	[tilespmem:$0x10100] =	vst v63  }
0x1e: {  	s31 =	sadd.s32 $0xFFFFFFFF, s12;
	s16 =	sadd.s32 @!p1 s17, s16;
	s15 =	sor.u32 @!p1 $0x2000, s15  }
0x1f: {  	[tilespmem:s15], [sflag:$0x1] =	stream.strided.gather @!p1 [hbm4b:s16+s19], $0x2000, s20, s19, $0x38;
	[tilespmem:$0x10100] =	vst v63  }
0x20: {  	p1 =	sge.u32 s31, s5  }
.Ltmp2:
0x21: {  	_ = 	snop;
	(pc) =	sbr.rel @p1 .LBB1_7-.Ltmp2, $1  }
0x22: {  	_ =	sdelay $0x3  }
0x23: {  	s15 =	simm.s32 $0x1;
	s17 =	sand.u32 $0x1, s12  }
0x24: {  	_ =	swait.ge [sflag:s4], $0x4000;
	s15 =	simm.s32 @!p0 $0x0;
	s17 =	smul.u32 $0x10200, s17  }
0x25: {  	p2 =	por $0x1, $0x1;
	[sflag:s4] =	ssyncset.done $0x0;
	s16 =	smul.u32 $0x10200, s15  }
0x26: {  	s18 =	sshll.u32 s15, $0x10;
	[sflag:s4] =	ssyncadd.s32 $0xFFFFC000;
	s30 =	sshrl.u32 s17, $0x2  }
0x27: {  	s31 =	sshrl.u32 s18, $0x2;
	s18 =	simm.s32 $0x0;
	s16 =	sshrl.u32 s16, $0x2  }
0x28: {  	s15 =	sor.u32 $0x8000, s30;
	s17 =	sadd.s32 $0x20, s31;
	s16 =	sor.u32 $0x8000, s16  }
.LBB1_3:
0x29: {  	s19 =	sshll.u32 s18, $0xD  }
0x2a: {  	s19 =	sand.u32 $0x3FFFE000, s19  }
0x2b: {  	s21 =	sadd.s32 s19, s17  }
0x2c: {  	s31 =	smul.u32 $0x8100, s18;
	v3 =	vld [tilespmem:s21+$0x10]  }
0x2d: {  	v1 =	vld [tilespmem:s21+$0xFFFFFFF0]  }
0x2e: {  	s18 =	sshra.s32 s31, $0x2;
	v0 =	vld [tilespmem:s21+$0x0]  }
0x2f: {  	s18 =	sadd.s32 s18, s16;
	v2 =	vld [tilespmem:s21+$0xFFFFFFE0]  }
0x30: {  	s19 =	sadd.s32 $0x0, s18  }
0x31: {  	p1 =	por p2, p2;
	s20 =	simm.s32 $0x4;
	s21 =	sadd.s32 $0x40, s21;
	[tilespmem:s19+$0x1830 ss:$0x81] =	vst.msk $0xffff, v3  }
.LBB1_4:
0x32: {  	v3 =	vld [tilespmem:s21+$0x10];
	p2 =	sne.s32 s20, $0x1FC;
	[tilespmem:s19+$0x810 ss:$0x81] =	vst.msk $0xffff, v1;
	s22 =	smov.u32 s20;
	s20 =	sadd.s32 $0x4, s20  }
.Ltmp3:
0x33: {  	v1 =	vld [tilespmem:s21+$0xFFFFFFF0];
	[tilespmem:s19+$0x1020 ss:$0x81] =	vst.msk $0xffff, v0;
	(pc) =	sbr.rel @p2 .LBB1_4-.Ltmp3, $4  }
0x34: {  	v0 =	vld [tilespmem:s21+$0x0];
	[tilespmem:s19+$0x0 ss:$0x81] =	vst.msk $0xffff, v2  }
0x35: {  	s19 =	sshra.s32 s22, $0x2;
	v2 =	vld [tilespmem:s21+$0xFFFFFFE0]  }
0x36: {  	s19 =	sadd.s32 s19, s18  }
0x37: {  	s21 =	sadd.s32 $0x40, s21;
	[tilespmem:s19+$0x1830 ss:$0x81] =	vst.msk $0xffff, v3  }
.Ltmp4:
0x38: {  	(pc) =	sbr.rel @p1 .LBB1_3-.Ltmp4, $4  }
0x39: {  	_ = 	snop  }
0x3a: {  	[tilespmem:s19+$0x810 ss:$0x81] =	vst.msk $0xffff, v1  }
0x3b: {  	[tilespmem:s19+$0x1020 ss:$0x81] =	vst.msk $0xffff, v0  }
0x3c: {  	s18 =	simm.s32 $0x1;
	p2 =	por $0x0, $0x0;
	[tilespmem:s19+$0x0 ss:$0x81] =	vst.msk $0xffff, v2  }
0x3d: {  	s16 =	sshll.u32 s13, $0x3;
	s17 =	sand.u32 $0x78, s13;
	s14 =	sshll.u32 s14, $0x11  }
.Ltmp5:
0x3e: {  	s30 =	sand.u32 $0x1F800, s13;
	s16 =	sand.u32 $0x3C00, s16;
	(pc) =	sbr.rel .LBB1_7-.Ltmp5, $4  }
0x3f: {  	s31 =	sand.u32 $0x7, s13;
	s14 =	sadd.s32 s3, s14;
	s16 =	sor.u32 s17, s16  }
0x40: {  	s13 =	sshll.u32 s31, $0x12;
	s14 =	sadd.s32 s30, s14;
	s16 =	sshrl.u32 s16, $0x3  }
0x41: {  	s13 =	sor.u32 $0x400, s13;
	s14 =	sadd.s32 s16, s14  }
0x42: {  	[hbm4b:s14+s13] =	stream.strided.scatter [tilespmem:s15], [sflag:$0x2], $0x4000, s9, s13, $0x20;
	[tilespmem:$0x10100] =	vst v63  }
.LBB1_8:
0x43: {  	_ =	sfence.sel $0x180000  }
0x44: {  	s2 =	simm.s32 $0x1;
	[bflag:$0x0] =	sbarrier.arrive $0xFFFF  }
0x45: {  	s31 =	simm.s32 $0x2;
	[sflag:s2] =	ssyncpa.u1 $0x1  }
0x46: {  	[sflag:s31] =	ssyncpa.u1 $0x1  }
0x47: {  	p0 =	sne.s32 s0, $0x0;
	_ =	strace $0x9000004A  }
0x48: {  	s0 =	sadd.s32 @!p0 $0x100000, s1;
	[bflag:$0x2] =	sbarrier.arrive $0xFFFF  }
0x49: {  	[sflag:s0] =	ssyncadd.tile.s32 @!p0 $0x1;
	_ =	shalt  }
.Lfunc_end1:
_tile_overlayer_lowered:
.L_overlay_start_2:
0x4a: {  	(tag) =	ssettag $0x2  }
0x4b: {  	s0 =	rddreg [dreg:$0x0];
	s2 =	stileid.u32  }
0x4c: {  	s1 =	rddreg [dreg:$0x1];
	p0 =	sne.s32 s2, $0x0  }
0x4d: {  	s3 =	rddreg [dreg:$0x2];
	[bflag:$0x3] =	sbarrier.arrive $0xFFFF;
	s2 =	simm.s32 @!p0 $0x1C01  }
0x4e: {  	[timem:s3], [sflag:s2] =	dma.local @!p0 [hbm:s0], s1  }
0x4f: {  	s0 =	simm.s32 @!p0 $0x1  }
0x50: {  	_ =	swait.ge @!p0 [sflag:s0], s1  }
0x51: {  	s1 =	ssub.s32 @!p0 $0x0, s1;
	[sflag:s0] =	ssyncset.done @!p0 $0x0  }
0x52: {  	[sflag:s0] =	ssyncadd.s32 @!p0 s1  }
0x53: {  	[bflag:$0x3] =	sbarrier.arrive $0xFFFF  }
0x54: {  	_ =	shalt  }

</sc_bundles>
